<compile_context>
chip_gen: v7x
topology: tpu7x:2x2x1
jax: 0.10.2.dev20260603
libtpu: 0.0.44.dev20260713+nightly
codegen_flags: <defaults>
</compile_context>

<pallas_src>
import functools

import jax
import jax.numpy as jnp
from jax import lax
from jax.experimental import pallas as pl
from jax.experimental.pallas import tpu as pltpu
from jax.experimental.pallas import tpu_sc as plsc

_LH = 0
_RH = 162
_HAND_W = 63
_CF = 1629
_D = 2 * _CF
_B = 256
_T = 64

_NW = 32
_NSLAB = -(-_D // _NW)


def _src_and_swap(d):
    h = jnp.where(d >= _CF, _CF, 0)
    r = d - h
    in_lh = r < _HAND_W
    in_rh = (r >= _RH) & (r < _RH + _HAND_W)
    src = h + jnp.where(in_lh, r + _RH, jnp.where(in_rh, r - _RH, r))
    return src, in_lh | in_rh


def _sc_body(x_hbm, out_hbm, a0, a1, bb, pred_v, part_v, all6_v, shared, sp,
             sem_a, sem_o):
    nc = 2
    sid = lax.axis_index("s")
    wid = sid * nc + lax.axis_index("c")
    lane = lax.iota(jnp.int32, 16)

    @pl.when(sid < 6)
    def _():
        de = _CF + jnp.where(sid < 3, sid + _LH, sid - 3 + _RH)
        sgn = jnp.where(sid < 3, -1.0, 1.0)
        pltpu.sync_copy(x_hbm.at[de, :, :], a0)

        def per_group(g, c0):
            def per_t(t, acc):
                v = plsc.load_gather(a0, [lane * 0 + t, g * 16 + lane])
                return acc + v * v

            acc = lax.fori_loop(0, _T, per_t, jnp.zeros((16,), jnp.float32))
            plsc.store_scatter(part_v, [g * 16 + lane], acc * sgn)
            return c0

        lax.fori_loop(0, _B // 16, per_group, 0)
        pltpu.sync_copy(part_v, shared.at[pl.ds(sid * _B, _B)])

    plsc.subcore_barrier()
    pltpu.sync_copy(shared, all6_v)

    def red_group(g, c0):
        def red_s(s, acc):
            return acc + plsc.load_gather(all6_v, [s * _B + g * 16 + lane])

        tot = lax.fori_loop(0, 6, red_s, jnp.zeros((16,), jnp.float32))
        plsc.store_scatter(pred_v, [g * 16 + lane], tot)
        return c0

    lax.fori_loop(0, _B // 16, red_group, 0)

    def slab_d(j):
        return wid + _NW * j

    abufs = (a0, a1)

    def ld_op(j, par, wait):
        src, isw = _src_and_swap(slab_d(j))

        @pl.when(isw)
        def _():
            dsc = pltpu.make_async_copy(x_hbm.at[src, :, :], abufs[par], sem_a)
            dsc.wait() if wait else dsc.start()

        @pl.when(jnp.logical_not(isw))
        def _():
            dsc = pltpu.make_async_copy(
                x_hbm.at[src, :, :], sp.at[sid, par], sem_a
            )
            dsc.wait() if wait else dsc.start()

    def st_op(j, par, wait):
        d = slab_d(j)
        _, isw = _src_and_swap(d)

        @pl.when(isw)
        def _():
            dsc = pltpu.make_async_copy(abufs[par], out_hbm.at[d, :, :], sem_o)
            dsc.wait() if wait else dsc.start()

        @pl.when(jnp.logical_not(isw))
        def _():
            dsc = pltpu.make_async_copy(
                sp.at[sid, par], out_hbm.at[d, :, :], sem_o
            )
            dsc.wait() if wait else dsc.start()

    @pl.when(slab_d(0) < _D)
    def _():
        ld_op(0, 0, wait=False)

    def merge(abuf):
        def per_group(g, c0):
            pv = plsc.load_gather(pred_v, [g * 16 + lane])
            m = pv > 0.0

            def per_t(t, c1):
                trow = lane * 0 + t
                va = plsc.load_gather(abuf, [trow, g * 16 + lane])
                vb = plsc.load_gather(bb, [trow, g * 16 + lane])
                plsc.store_scatter(abuf, [trow, g * 16 + lane],
                                   jnp.where(m, va, vb))
                return c1

            lax.fori_loop(0, _T, per_t, 0)
            return c0

        lax.fori_loop(0, _B // 16, per_group, 0)

    def body(j, par):
        d = slab_d(j)

        @pl.when(d < _D)
        def _():
            _, is_swap = _src_and_swap(d)
            ld_op(j, par, wait=True)

            @pl.when(j > 0)
            def _():
                @pl.when(slab_d(j - 1) < _D)
                def _():
                    st_op(j - 1, 1 - par, wait=True)

            @pl.when(slab_d(j + 1) < _D)
            def _():
                ld_op(j + 1, 1 - par, wait=False)

            @pl.when(is_swap)
            def _():
                pltpu.sync_copy(x_hbm.at[d, :, :], bb)
                merge(abufs[par])

            st_op(j, par, wait=False)

    def loop(j, carry):
        pj = lax.rem(j, 2)

        @pl.when(pj == 0)
        def _():
            body(j, 0)

        @pl.when(pj == 1)
        def _():
            body(j, 1)

        return carry

    lax.fori_loop(0, _NSLAB, loop, 0)

    last = _NSLAB - 1

    @pl.when(slab_d(last) < _D)
    def _():
        st_op(last, last % 2, wait=True)

    @pl.when(slab_d(last) >= _D)
    def _():
        st_op(last - 1, (last - 1) % 2, wait=True)


@jax.jit
def _hand_dominance_sc(xt):
    mesh = plsc.VectorSubcoreMesh(core_axis_name="c", subcore_axis_name="s")
    fn = functools.partial(
        pl.kernel,
        out_type=jax.ShapeDtypeStruct((_D, _T, _B), jnp.float32),
        mesh=mesh,
        scratch_types=[
            pltpu.VMEM((_T, _B), jnp.float32),
            pltpu.VMEM((_T, _B), jnp.float32),
            pltpu.VMEM((_T, _B), jnp.float32),
            pltpu.VMEM((_B,), jnp.float32),
            pltpu.VMEM((_B,), jnp.float32),
            pltpu.VMEM((6 * _B,), jnp.float32),
            pltpu.VMEM_SHARED((6 * _B,), jnp.float32),
            pltpu.VMEM_SHARED((16, 2, _T, _B), jnp.float32),
            pltpu.SemaphoreType.DMA,
            pltpu.SemaphoreType.DMA,
        ],
        compiler_params=pltpu.CompilerParams(needs_layout_passes=False),
    )(_sc_body)
    return fn(xt)


def kernel(x, swap_perm):
    del swap_perm
    xt = jnp.transpose(x, (2, 1, 0))
    out_t = _hand_dominance_sc(xt)
    return jnp.transpose(out_t, (2, 1, 0))

# --- scband reference (transcript-rebuilt; emitter-appended) ---
"""Pipeline reference for scband-hand-dominance-module-17686675325504 (READ-ONLY COPY).

The authoritative reference and input builder live on the scoring server;
editing this copy changes nothing except your own understanding.
"""

import jax, jax.numpy as jnp
import numpy as np

# Landmark layout constants (module-level globals in the original torch code):
# LH: 21 landmarks, POSE: 33, RH: 21, FACE: 468; 3 coords per landmark.
COORDS_PER_LM = 3
LH_START = 0
POSE_START = 63          # LH block = [0, 63)
RH_START = 162           # POSE block = [63, 162)
FACE_START = 225         # RH block = [162, 225)
COORD_FEAT = 1629        # FACE block = [225, 1629); total per-frame coord features
D = 2 * COORD_FEAT       # positions + velocities


def _build_swap_perm():
    perm = np.arange(D)
    for half in (0, COORD_FEAT):
        perm[half + LH_START:half + POSE_START] = np.arange(half + RH_START, half + FACE_START)
        perm[half + RH_START:half + FACE_START] = np.arange(half + LH_START, half + POSE_START)
    return jnp.asarray(perm, dtype=jnp.int64 if jax.config.jax_enable_x64 else jnp.int32)


def setup_inputs(seed: int = 0) -> dict:
    key = jax.random.key(seed)
    x = jax.random.normal(key, (256, 64, D), dtype=jnp.float32)
    return {"x": x, "swap_perm": _build_swap_perm()}


def reference(x, swap_perm):
    # wrist-motion energy per hand (velocities live in the second half of the feature dim)
    lh_wrist_vel = x[:, :, COORD_FEAT + LH_START:COORD_FEAT + LH_START + COORDS_PER_LM]
    rh_wrist_vel = x[:, :, COORD_FEAT + RH_START:COORD_FEAT + RH_START + COORDS_PER_LM]
    lh_energy = (lh_wrist_vel ** 2).sum(axis=-1).mean(axis=1)  # [B]
    rh_energy = (rh_wrist_vel ** 2).sum(axis=-1).mean(axis=1)  # [B]
    swap_mask = rh_energy > lh_energy                          # [B] bool
    # gather-based LH<->RH channel permutation, applied only to swapped rows
    swapped = jnp.take(x, swap_perm, axis=2)
    out = jnp.where(swap_mask[:, None, None], swapped, x)
    return out

if __name__ == "__main__":
    import jax
    _d = setup_inputs()
    print(jax.jit(kernel)(*tuple(_d.values())))

</pallas_src>

<mosaic_0001>
#map = affine_map<(d0, d1) -> (0, 0, 0)>
module attributes {stable_mosaic.version = 14 : i64} {
  func.func @_sc_body(%arg0: i32, %arg1: i32, %arg2: memref<3258x64x256xf32, #tpu.memory_space<hbm>>, %arg3: memref<3258x64x256xf32, #tpu.memory_space<hbm>>, %arg4: memref<64x256xf32, #tpu.memory_space<vmem>>, %arg5: memref<64x256xf32, #tpu.memory_space<vmem>>, %arg6: memref<64x256xf32, #tpu.memory_space<vmem>>, %arg7: memref<256xf32, #tpu.memory_space<vmem>>, %arg8: memref<256xf32, #tpu.memory_space<vmem>>, %arg9: memref<1536xf32, #tpu.memory_space<vmem>>, %arg10: memref<1536xf32, #tpu.memory_space<vmem_shared>>, %arg11: memref<16x2x64x256xf32, #tpu.memory_space<vmem_shared>>, %arg12: memref<!tpu.dma_semaphore, #tpu.memory_space<semaphore_mem>>, %arg13: memref<!tpu.dma_semaphore, #tpu.memory_space<semaphore_mem>>) attributes {dimension_semantics = [#tpu.dimension_semantics<core_parallel>, #tpu.dimension_semantics<subcore_parallel>], iteration_bounds = array<i64: 2, 16>, scalar_prefetch = 0 : i64, scratch_operands = 10 : i64, tpu.core_type = #tpu.core_type<sc_vector_subcore>, window_params = [{transform_indices = #map}, {transform_indices = #map}]} {
    %mul3A = arith.constant 2 : i32
    %mul3A_0 = arith.muli %arg1, %mul3A : i32
    %add3A = arith.addi %mul3A_0, %arg0 : i32
    %iota3A = tpu.iota {dimensions = array<i32: 0>} : vector<16xi32>
    %lt3A = arith.constant 6 : i32
    %lt3A_1 = arith.cmpi slt, %arg1, %lt3A : i32
    %convert_element_type3A = arith.extui %lt3A_1 : i1 to i32
    %cond3A = arith.constant 0 : i32
    %cond3A_2 = arith.cmpi ne, %convert_element_type3A, %cond3A : i32
    scf.if %cond3A_2 {
      %lt3A_34 = arith.constant 3 : i32
      %lt3A_35 = arith.cmpi slt, %arg1, %lt3A_34 : i32
      %add3A_36 = arith.constant 0 : i32
      %add3A_37 = arith.addi %arg1, %add3A_36 : i32
      %sub3A = arith.constant 3 : i32
      %sub3A_38 = arith.subi %arg1, %sub3A : i32
      %add3A_39 = arith.constant 162 : i32
      %add3A_40 = arith.addi %sub3A_38, %add3A_39 : i32
      %select_n3A = arith.select %lt3A_35, %add3A_37, %add3A_40 : i32
      %add3A_41 = arith.constant 1629 : i32
      %add3A_42 = arith.addi %add3A_41, %select_n3A : i32
      %lt3A_43 = arith.constant 3 : i32
      %lt3A_44 = arith.cmpi slt, %arg1, %lt3A_43 : i32
      %jit3A = arith.constant -1.000000e+00 : f32
      %jit3A_45 = arith.constant 1.000000e+00 : f32
      %select_n3A_46 = arith.select %lt3A_44, %jit3A, %jit3A_45 : f32
      "tpu.region"() ({
        %run_scoped3A = tpu.sem_alloc : memref<!tpu.dma_semaphore, #tpu.memory_space<semaphore_mem>>
        %dma_start3A = arith.constant 0 : i32
        %dma_start3A_55 = arith.constant 0 : i32
        %dma_start3A_56 = tpu.memref_slice %arg2[%add3A_42, %dma_start3A, %dma_start3A_55] : memref<3258x64x256xf32, #tpu.memory_space<hbm>> -> memref<1x64x256xf32, #tpu.memory_space<hbm>>
        %dma_start3A_57 = tpu.memref_squeeze %dma_start3A_56 : memref<1x64x256xf32, #tpu.memory_space<hbm>> -> memref<64x256xf32, #tpu.memory_space<hbm>>
        %dma_start3A_58 = arith.constant 0 : i32
        %dma_start3A_59 = arith.constant 0 : i32
        %dma_start3A_60 = tpu.memref_slice %arg2[%add3A_42, %dma_start3A_58, %dma_start3A_59] : memref<3258x64x256xf32, #tpu.memory_space<hbm>> -> memref<1x64x256xf32, #tpu.memory_space<hbm>>
        %dma_start3A_61 = tpu.memref_squeeze %dma_start3A_60 : memref<1x64x256xf32, #tpu.memory_space<hbm>> -> memref<64x256xf32, #tpu.memory_space<hbm>>
        tpu.enqueue_dma source(%dma_start3A_61 : memref<64x256xf32, #tpu.memory_space<hbm>>) target(%arg4 : memref<64x256xf32, #tpu.memory_space<vmem>>) target_semaphore(%run_scoped3A : memref<!tpu.dma_semaphore, #tpu.memory_space<semaphore_mem>>)
        %dma_wait3A = arith.constant 0 : i32
        %dma_wait3A_62 = arith.constant 0 : i32
        %dma_wait3A_63 = tpu.memref_slice %arg2[%add3A_42, %dma_wait3A, %dma_wait3A_62] : memref<3258x64x256xf32, #tpu.memory_space<hbm>> -> memref<1x64x256xf32, #tpu.memory_space<hbm>>
        %dma_wait3A_64 = tpu.memref_squeeze %dma_wait3A_63 : memref<1x64x256xf32, #tpu.memory_space<hbm>> -> memref<64x256xf32, #tpu.memory_space<hbm>>
        %dma_wait3A_65 = arith.constant 0 : i32
        %dma_wait3A_66 = arith.constant 0 : i32
        %dma_wait3A_67 = tpu.memref_slice %arg2[%add3A_42, %dma_wait3A_65, %dma_wait3A_66] : memref<3258x64x256xf32, #tpu.memory_space<hbm>> -> memref<1x64x256xf32, #tpu.memory_space<hbm>>
        %dma_wait3A_68 = tpu.memref_squeeze %dma_wait3A_67 : memref<1x64x256xf32, #tpu.memory_space<hbm>> -> memref<64x256xf32, #tpu.memory_space<hbm>>
        tpu.wait_dma2 semaphore(%run_scoped3A : memref<!tpu.dma_semaphore, #tpu.memory_space<semaphore_mem>>) src(%dma_wait3A_68 : memref<64x256xf32, #tpu.memory_space<hbm>>) dst(%arg4 : memref<64x256xf32, #tpu.memory_space<vmem>>)
        tpu.yield
      }) : () -> ()
      %scan3A_47 = arith.constant 0 : i32
      %scan3A_48 = arith.constant 0 : i32
      %scan3A_49 = arith.constant 16 : i32
      %scan3A_50 = arith.addi %scan3A_48, %scan3A_49 : i32
      %scan3A_51 = arith.constant 1 : i32
      scf.for %scan3A_55 = %scan3A_48 to %scan3A_50 step %scan3A_51  : i32 {
        %broadcast_in_dim3A = arith.constant 0.000000e+00 : f32
        %broadcast_in_dim3A_56 = vector.broadcast %broadcast_in_dim3A : f32 to vector<16xf32>
        %scan3A_57 = arith.constant 0 : i32
        %scan3A_58 = arith.constant 64 : i32
        %scan3A_59 = arith.addi %scan3A_57, %scan3A_58 : i32
        %scan3A_60 = arith.constant 1 : i32
        %scan3A_61 = scf.for %scan3A_69 = %scan3A_57 to %scan3A_59 step %scan3A_60 iter_args(%scan3A_70 = %broadcast_in_dim3A_56) -> (vector<16xf32>)  : i32 {
          %mul3A_71 = arith.constant 0 : i32
          %mul3A_72 = vector.broadcast %mul3A_71 : i32 to vector<16xi32>
          %mul3A_73 = arith.muli %iota3A, %mul3A_72 : vector<16xi32>
          %add3A_74 = vector.broadcast %scan3A_69 : i32 to vector<16xi32>
          %add3A_75 = arith.addi %mul3A_73, %add3A_74 : vector<16xi32>
          %mul3A_76 = arith.constant 16 : i32
          %mul3A_77 = arith.muli %scan3A_55, %mul3A_76 : i32
          %add3A_78 = vector.broadcast %mul3A_77 : i32 to vector<16xi32>
          %add3A_79 = arith.addi %add3A_78, %iota3A : vector<16xi32>
          %gather3A = tpu.vector_load_idx %arg4[%add3A_75, %add3A_79] : memref<64x256xf32, #tpu.memory_space<vmem>>[vector<16xi32>, vector<16xi32>], vector<16xf32>,
          %mul3A_80 = arith.mulf %gather3A, %gather3A : vector<16xf32>
          %add3A_81 = arith.addf %scan3A_70, %mul3A_80 : vector<16xf32>
          scf.yield %add3A_81 : vector<16xf32>
        }
        %scan3A_62 = arith.constant 64 : i32
        %mul3A_63 = arith.constant 16 : i32
        %mul3A_64 = arith.muli %scan3A_55, %mul3A_63 : i32
        %add3A_65 = vector.broadcast %mul3A_64 : i32 to vector<16xi32>
        %add3A_66 = arith.addi %add3A_65, %iota3A : vector<16xi32>
        %mul3A_67 = vector.broadcast %select_n3A_46 : f32 to vector<16xf32>
        %mul3A_68 = arith.mulf %scan3A_61, %mul3A_67 : vector<16xf32>
        tpu.vector_store_idx %arg8[%add3A_66], %mul3A_68 : memref<256xf32, #tpu.memory_space<vmem>>[vector<16xi32>], vector<16xf32>,
      }
      %scan3A_52 = arith.constant 16 : i32
      %mul3A_53 = arith.constant 256 : i32
      %mul3A_54 = arith.muli %arg1, %mul3A_53 : i32
      "tpu.region"() ({
        %run_scoped3A = tpu.sem_alloc : memref<!tpu.dma_semaphore, #tpu.memory_space<semaphore_mem>>
        %dma_start3A = tpu.memref_slice %arg10[%mul3A_54] : memref<1536xf32, #tpu.memory_space<vmem_shared>> -> memref<256xf32, #tpu.memory_space<vmem_shared>>
        %dma_start3A_55 = tpu.memref_slice %arg10[%mul3A_54] : memref<1536xf32, #tpu.memory_space<vmem_shared>> -> memref<256xf32, #tpu.memory_space<vmem_shared>>
        tpu.enqueue_dma source(%arg8 : memref<256xf32, #tpu.memory_space<vmem>>) target(%dma_start3A_55 : memref<256xf32, #tpu.memory_space<vmem_shared>>) target_semaphore(%run_scoped3A : memref<!tpu.dma_semaphore, #tpu.memory_space<semaphore_mem>>)
        %dma_wait3A = tpu.memref_slice %arg10[%mul3A_54] : memref<1536xf32, #tpu.memory_space<vmem_shared>> -> memref<256xf32, #tpu.memory_space<vmem_shared>>
        %dma_wait3A_56 = tpu.memref_slice %arg10[%mul3A_54] : memref<1536xf32, #tpu.memory_space<vmem_shared>> -> memref<256xf32, #tpu.memory_space<vmem_shared>>
        tpu.wait_dma2 semaphore(%run_scoped3A : memref<!tpu.dma_semaphore, #tpu.memory_space<semaphore_mem>>) src(%arg8 : memref<256xf32, #tpu.memory_space<vmem>>) dst(%dma_wait3A_56 : memref<256xf32, #tpu.memory_space<vmem_shared>>)
        tpu.yield
      }) : () -> ()
    } else {
    }
    %barrier3A = arith.constant 0 : index
    tpu.barrier barrier_id(%barrier3A)
    "tpu.region"() ({
      %run_scoped3A = tpu.sem_alloc : memref<!tpu.dma_semaphore, #tpu.memory_space<semaphore_mem>>
      tpu.enqueue_dma source(%arg10 : memref<1536xf32, #tpu.memory_space<vmem_shared>>) target(%arg9 : memref<1536xf32, #tpu.memory_space<vmem>>) target_semaphore(%run_scoped3A : memref<!tpu.dma_semaphore, #tpu.memory_space<semaphore_mem>>)
      tpu.wait_dma2 semaphore(%run_scoped3A : memref<!tpu.dma_semaphore, #tpu.memory_space<semaphore_mem>>) src(%arg10 : memref<1536xf32, #tpu.memory_space<vmem_shared>>) dst(%arg9 : memref<1536xf32, #tpu.memory_space<vmem>>)
      tpu.yield
    }) : () -> ()
    %scan3A = arith.constant 0 : i32
    %scan3A_3 = arith.constant 0 : i32
    %scan3A_4 = arith.constant 16 : i32
    %scan3A_5 = arith.addi %scan3A_3, %scan3A_4 : i32
    %scan3A_6 = arith.constant 1 : i32
    scf.for %scan3A_34 = %scan3A_3 to %scan3A_5 step %scan3A_6  : i32 {
      %broadcast_in_dim3A = arith.constant 0.000000e+00 : f32
      %broadcast_in_dim3A_35 = vector.broadcast %broadcast_in_dim3A : f32 to vector<16xf32>
      %scan3A_36 = arith.constant 0 : i32
      %scan3A_37 = arith.constant 6 : i32
      %scan3A_38 = arith.addi %scan3A_36, %scan3A_37 : i32
      %scan3A_39 = arith.constant 1 : i32
      %scan3A_40 = scf.for %scan3A_46 = %scan3A_36 to %scan3A_38 step %scan3A_39 iter_args(%scan3A_47 = %broadcast_in_dim3A_35) -> (vector<16xf32>)  : i32 {
        %mul3A_48 = arith.constant 256 : i32
        %mul3A_49 = arith.muli %scan3A_46, %mul3A_48 : i32
        %mul3A_50 = arith.constant 16 : i32
        %mul3A_51 = arith.muli %scan3A_34, %mul3A_50 : i32
        %add3A_52 = arith.addi %mul3A_49, %mul3A_51 : i32
        %add3A_53 = vector.broadcast %add3A_52 : i32 to vector<16xi32>
        %add3A_54 = arith.addi %add3A_53, %iota3A : vector<16xi32>
        %gather3A = tpu.vector_load_idx %arg9[%add3A_54] : memref<1536xf32, #tpu.memory_space<vmem>>[vector<16xi32>], vector<16xf32>,
        %add3A_55 = arith.addf %scan3A_47, %gather3A : vector<16xf32>
        scf.yield %add3A_55 : vector<16xf32>
      }
      %scan3A_41 = arith.constant 6 : i32
      %mul3A_42 = arith.constant 16 : i32
      %mul3A_43 = arith.muli %scan3A_34, %mul3A_42 : i32
      %add3A_44 = vector.broadcast %mul3A_43 : i32 to vector<16xi32>
      %add3A_45 = arith.addi %add3A_44, %iota3A : vector<16xi32>
      tpu.vector_store_idx %arg7[%add3A_45], %scan3A_40 : memref<256xf32, #tpu.memory_space<vmem>>[vector<16xi32>], vector<16xf32>,
    }
    %scan3A_7 = arith.constant 16 : i32
    %add3A_8 = arith.constant 0 : i32
    %add3A_9 = arith.addi %add3A, %add3A_8 : i32
    %lt3A_10 = arith.constant 3258 : i32
    %lt3A_11 = arith.cmpi slt, %add3A_9, %lt3A_10 : i32
    %convert_element_type3A_12 = arith.extui %lt3A_11 : i1 to i32
    %cond3A_13 = arith.constant 0 : i32
    %cond3A_14 = arith.cmpi ne, %convert_element_type3A_12, %cond3A_13 : i32
    scf.if %cond3A_14 {
      %add3A_34 = arith.constant 0 : i32
      %add3A_35 = arith.addi %add3A, %add3A_34 : i32
      %ge3A_36 = arith.constant 1629 : i32
      %ge3A_37 = arith.cmpi sge, %add3A_35, %ge3A_36 : i32
      %jit3A = arith.constant 1629 : i32
      %jit3A_38 = arith.constant 0 : i32
      %select_n3A = arith.select %ge3A_37, %jit3A, %jit3A_38 : i32
      %sub3A = arith.subi %add3A_35, %select_n3A : i32
      %lt3A_39 = arith.constant 63 : i32
      %lt3A_40 = arith.cmpi slt, %sub3A, %lt3A_39 : i32
      %ge3A_41 = arith.constant 162 : i32
      %ge3A_42 = arith.cmpi sge, %sub3A, %ge3A_41 : i32
      %lt3A_43 = arith.constant 225 : i32
      %lt3A_44 = arith.cmpi slt, %sub3A, %lt3A_43 : i32
      %and3A = arith.andi %ge3A_42, %lt3A_44 : i1
      %add3A_45 = arith.constant 162 : i32
      %add3A_46 = arith.addi %sub3A, %add3A_45 : i32
      %sub3A_47 = arith.constant 162 : i32
      %sub3A_48 = arith.subi %sub3A, %sub3A_47 : i32
      %select_n3A_49 = arith.select %and3A, %sub3A_48, %sub3A : i32
      %select_n3A_50 = arith.select %lt3A_40, %add3A_46, %select_n3A_49 : i32
      %add3A_51 = arith.addi %select_n3A, %select_n3A_50 : i32
      %or3A = arith.ori %lt3A_40, %and3A : i1
      %convert_element_type3A_52 = arith.extui %or3A : i1 to i32
      %cond3A_53 = arith.constant 0 : i32
      %cond3A_54 = arith.cmpi ne, %convert_element_type3A_52, %cond3A_53 : i32
      scf.if %cond3A_54 {
        %dma_start3A = arith.constant 0 : i32
        %dma_start3A_59 = arith.constant 0 : i32
        %dma_start3A_60 = tpu.memref_slice %arg2[%add3A_51, %dma_start3A, %dma_start3A_59] : memref<3258x64x256xf32, #tpu.memory_space<hbm>> -> memref<1x64x256xf32, #tpu.memory_space<hbm>>
        %dma_start3A_61 = tpu.memref_squeeze %dma_start3A_60 : memref<1x64x256xf32, #tpu.memory_space<hbm>> -> memref<64x256xf32, #tpu.memory_space<hbm>>
        %dma_start3A_62 = arith.constant 0 : i32
        %dma_start3A_63 = arith.constant 0 : i32
        %dma_start3A_64 = tpu.memref_slice %arg2[%add3A_51, %dma_start3A_62, %dma_start3A_63] : memref<3258x64x256xf32, #tpu.memory_space<hbm>> -> memref<1x64x256xf32, #tpu.memory_space<hbm>>
        %dma_start3A_65 = tpu.memref_squeeze %dma_start3A_64 : memref<1x64x256xf32, #tpu.memory_space<hbm>> -> memref<64x256xf32, #tpu.memory_space<hbm>>
        tpu.enqueue_dma source(%dma_start3A_65 : memref<64x256xf32, #tpu.memory_space<hbm>>) target(%arg4 : memref<64x256xf32, #tpu.memory_space<vmem>>) target_semaphore(%arg12 : memref<!tpu.dma_semaphore, #tpu.memory_space<semaphore_mem>>)
      } else {
      }
      %not3A = arith.constant true
      %not3A_55 = arith.xori %or3A, %not3A : i1
      %convert_element_type3A_56 = arith.extui %not3A_55 : i1 to i32
      %cond3A_57 = arith.constant 0 : i32
      %cond3A_58 = arith.cmpi ne, %convert_element_type3A_56, %cond3A_57 : i32
      scf.if %cond3A_58 {
        %dma_start3A = arith.constant 0 : i32
        %dma_start3A_59 = arith.constant 0 : i32
        %dma_start3A_60 = arith.constant 0 : i32
        %dma_start3A_61 = tpu.memref_slice %arg11[%arg1, %dma_start3A, %dma_start3A_59, %dma_start3A_60] : memref<16x2x64x256xf32, #tpu.memory_space<vmem_shared>> -> memref<1x1x64x256xf32, #tpu.memory_space<vmem_shared>>
        %dma_start3A_62 = tpu.memref_squeeze %dma_start3A_61 : memref<1x1x64x256xf32, #tpu.memory_space<vmem_shared>> -> memref<64x256xf32, #tpu.memory_space<vmem_shared>>
        %dma_start3A_63 = arith.constant 0 : i32
        %dma_start3A_64 = arith.constant 0 : i32
        %dma_start3A_65 = tpu.memref_slice %arg2[%add3A_51, %dma_start3A_63, %dma_start3A_64] : memref<3258x64x256xf32, #tpu.memory_space<hbm>> -> memref<1x64x256xf32, #tpu.memory_space<hbm>>
        %dma_start3A_66 = tpu.memref_squeeze %dma_start3A_65 : memref<1x64x256xf32, #tpu.memory_space<hbm>> -> memref<64x256xf32, #tpu.memory_space<hbm>>
        tpu.enqueue_dma source(%dma_start3A_66 : memref<64x256xf32, #tpu.memory_space<hbm>>) target(%dma_start3A_62 : memref<64x256xf32, #tpu.memory_space<vmem_shared>>) target_semaphore(%arg12 : memref<!tpu.dma_semaphore, #tpu.memory_space<semaphore_mem>>)
      } else {
      }
    } else {
    }
    %scan3A_15 = arith.constant 0 : i32
    %scan3A_16 = arith.constant 0 : i32
    %scan3A_17 = arith.constant 102 : i32
    %scan3A_18 = arith.addi %scan3A_16, %scan3A_17 : i32
    %scan3A_19 = arith.constant 1 : i32
    scf.for %scan3A_34 = %scan3A_16 to %scan3A_18 step %scan3A_19  : i32 {
      %rem3A = arith.constant 2 : i32
      %rem3A_35 = arith.remsi %scan3A_34, %rem3A : i32
      %eq3A = arith.constant 0 : i32
      %eq3A_36 = arith.cmpi eq, %rem3A_35, %eq3A : i32
      %convert_element_type3A_37 = arith.extui %eq3A_36 : i1 to i32
      %cond3A_38 = arith.constant 0 : i32
      %cond3A_39 = arith.cmpi ne, %convert_element_type3A_37, %cond3A_38 : i32
      scf.if %cond3A_39 {
        %mul3A_45 = arith.constant 32 : i32
        %mul3A_46 = arith.muli %mul3A_45, %scan3A_34 : i32
        %add3A_47 = arith.addi %add3A, %mul3A_46 : i32
        %lt3A_48 = arith.constant 3258 : i32
        %lt3A_49 = arith.cmpi slt, %add3A_47, %lt3A_48 : i32
        %convert_element_type3A_50 = arith.extui %lt3A_49 : i1 to i32
        %cond3A_51 = arith.constant 0 : i32
        %cond3A_52 = arith.cmpi ne, %convert_element_type3A_50, %cond3A_51 : i32
        scf.if %cond3A_52 {
          %ge3A_53 = arith.constant 1629 : i32
          %ge3A_54 = arith.cmpi sge, %add3A_47, %ge3A_53 : i32
          %jit3A = arith.constant 1629 : i32
          %jit3A_55 = arith.constant 0 : i32
          %select_n3A = arith.select %ge3A_54, %jit3A, %jit3A_55 : i32
          %sub3A = arith.subi %add3A_47, %select_n3A : i32
          %lt3A_56 = arith.constant 63 : i32
          %lt3A_57 = arith.cmpi slt, %sub3A, %lt3A_56 : i32
          %ge3A_58 = arith.constant 162 : i32
          %ge3A_59 = arith.cmpi sge, %sub3A, %ge3A_58 : i32
          %lt3A_60 = arith.constant 225 : i32
          %lt3A_61 = arith.cmpi slt, %sub3A, %lt3A_60 : i32
          %and3A = arith.andi %ge3A_59, %lt3A_61 : i1
          %add3A_62 = arith.constant 162 : i32
          %add3A_63 = arith.addi %sub3A, %add3A_62 : i32
          %sub3A_64 = arith.constant 162 : i32
          %sub3A_65 = arith.subi %sub3A, %sub3A_64 : i32
          %select_n3A_66 = arith.select %and3A, %sub3A_65, %sub3A : i32
          %select_n3A_67 = arith.select %lt3A_57, %add3A_63, %select_n3A_66 : i32
          %add3A_68 = arith.addi %select_n3A, %select_n3A_67 : i32
          %or3A = arith.ori %lt3A_57, %and3A : i1
          %mul3A_69 = arith.constant 32 : i32
          %mul3A_70 = arith.muli %mul3A_69, %scan3A_34 : i32
          %add3A_71 = arith.addi %add3A, %mul3A_70 : i32
          %ge3A_72 = arith.constant 1629 : i32
          %ge3A_73 = arith.cmpi sge, %add3A_71, %ge3A_72 : i32
          %jit3A_74 = arith.constant 1629 : i32
          %jit3A_75 = arith.constant 0 : i32
          %select_n3A_76 = arith.select %ge3A_73, %jit3A_74, %jit3A_75 : i32
          %sub3A_77 = arith.subi %add3A_71, %select_n3A_76 : i32
          %lt3A_78 = arith.constant 63 : i32
          %lt3A_79 = arith.cmpi slt, %sub3A_77, %lt3A_78 : i32
          %ge3A_80 = arith.constant 162 : i32
          %ge3A_81 = arith.cmpi sge, %sub3A_77, %ge3A_80 : i32
          %lt3A_82 = arith.constant 225 : i32
          %lt3A_83 = arith.cmpi slt, %sub3A_77, %lt3A_82 : i32
          %and3A_84 = arith.andi %ge3A_81, %lt3A_83 : i1
          %add3A_85 = arith.constant 162 : i32
          %add3A_86 = arith.addi %sub3A_77, %add3A_85 : i32
          %sub3A_87 = arith.constant 162 : i32
          %sub3A_88 = arith.subi %sub3A_77, %sub3A_87 : i32
          %select_n3A_89 = arith.select %and3A_84, %sub3A_88, %sub3A_77 : i32
          %select_n3A_90 = arith.select %lt3A_79, %add3A_86, %select_n3A_89 : i32
          %add3A_91 = arith.addi %select_n3A_76, %select_n3A_90 : i32
          %or3A_92 = arith.ori %lt3A_79, %and3A_84 : i1
          %convert_element_type3A_93 = arith.extui %or3A_92 : i1 to i32
          %cond3A_94 = arith.constant 0 : i32
          %cond3A_95 = arith.cmpi ne, %convert_element_type3A_93, %cond3A_94 : i32
          scf.if %cond3A_95 {
            %dma_wait3A = arith.constant 0 : i32
            %dma_wait3A_149 = arith.constant 0 : i32
            %dma_wait3A_150 = tpu.memref_slice %arg2[%add3A_91, %dma_wait3A, %dma_wait3A_149] : memref<3258x64x256xf32, #tpu.memory_space<hbm>> -> memref<1x64x256xf32, #tpu.memory_space<hbm>>
            %dma_wait3A_151 = tpu.memref_squeeze %dma_wait3A_150 : memref<1x64x256xf32, #tpu.memory_space<hbm>> -> memref<64x256xf32, #tpu.memory_space<hbm>>
            %dma_wait3A_152 = arith.constant 0 : i32
            %dma_wait3A_153 = arith.constant 0 : i32
            %dma_wait3A_154 = tpu.memref_slice %arg2[%add3A_91, %dma_wait3A_152, %dma_wait3A_153] : memref<3258x64x256xf32, #tpu.memory_space<hbm>> -> memref<1x64x256xf32, #tpu.memory_space<hbm>>
            %dma_wait3A_155 = tpu.memref_squeeze %dma_wait3A_154 : memref<1x64x256xf32, #tpu.memory_space<hbm>> -> memref<64x256xf32, #tpu.memory_space<hbm>>
            tpu.wait_dma2 semaphore(%arg12 : memref<!tpu.dma_semaphore, #tpu.memory_space<semaphore_mem>>) src(%dma_wait3A_155 : memref<64x256xf32, #tpu.memory_space<hbm>>) dst(%arg4 : memref<64x256xf32, #tpu.memory_space<vmem>>)
          } else {
          }
          %not3A = arith.constant true
          %not3A_96 = arith.xori %or3A_92, %not3A : i1
          %convert_element_type3A_97 = arith.extui %not3A_96 : i1 to i32
          %cond3A_98 = arith.constant 0 : i32
          %cond3A_99 = arith.cmpi ne, %convert_element_type3A_97, %cond3A_98 : i32
          scf.if %cond3A_99 {
            %dma_wait3A = arith.constant 0 : i32
            %dma_wait3A_149 = arith.constant 0 : i32
            %dma_wait3A_150 = arith.constant 0 : i32
            %dma_wait3A_151 = tpu.memref_slice %arg11[%arg1, %dma_wait3A, %dma_wait3A_149, %dma_wait3A_150] : memref<16x2x64x256xf32, #tpu.memory_space<vmem_shared>> -> memref<1x1x64x256xf32, #tpu.memory_space<vmem_shared>>
            %dma_wait3A_152 = tpu.memref_squeeze %dma_wait3A_151 : memref<1x1x64x256xf32, #tpu.memory_space<vmem_shared>> -> memref<64x256xf32, #tpu.memory_space<vmem_shared>>
            %dma_wait3A_153 = arith.constant 0 : i32
            %dma_wait3A_154 = arith.constant 0 : i32
            %dma_wait3A_155 = tpu.memref_slice %arg2[%add3A_91, %dma_wait3A_153, %dma_wait3A_154] : memref<3258x64x256xf32, #tpu.memory_space<hbm>> -> memref<1x64x256xf32, #tpu.memory_space<hbm>>
            %dma_wait3A_156 = tpu.memref_squeeze %dma_wait3A_155 : memref<1x64x256xf32, #tpu.memory_space<hbm>> -> memref<64x256xf32, #tpu.memory_space<hbm>>
            tpu.wait_dma2 semaphore(%arg12 : memref<!tpu.dma_semaphore, #tpu.memory_space<semaphore_mem>>) src(%dma_wait3A_156 : memref<64x256xf32, #tpu.memory_space<hbm>>) dst(%dma_wait3A_152 : memref<64x256xf32, #tpu.memory_space<vmem_shared>>)
          } else {
          }
          %gt3A = arith.constant 0 : i32
          %gt3A_100 = arith.cmpi sgt, %scan3A_34, %gt3A : i32
          %convert_element_type3A_101 = arith.extui %gt3A_100 : i1 to i32
          %cond3A_102 = arith.constant 0 : i32
          %cond3A_103 = arith.cmpi ne, %convert_element_type3A_101, %cond3A_102 : i32
          scf.if %cond3A_103 {
            %sub3A_149 = arith.constant 1 : i32
            %sub3A_150 = arith.subi %scan3A_34, %sub3A_149 : i32
            %mul3A_151 = arith.constant 32 : i32
            %mul3A_152 = arith.muli %mul3A_151, %sub3A_150 : i32
            %add3A_153 = arith.addi %add3A, %mul3A_152 : i32
            %lt3A_154 = arith.constant 3258 : i32
            %lt3A_155 = arith.cmpi slt, %add3A_153, %lt3A_154 : i32
            %convert_element_type3A_156 = arith.extui %lt3A_155 : i1 to i32
            %cond3A_157 = arith.constant 0 : i32
            %cond3A_158 = arith.cmpi ne, %convert_element_type3A_156, %cond3A_157 : i32
            scf.if %cond3A_158 {
              %sub3A_159 = arith.constant 1 : i32
              %sub3A_160 = arith.subi %scan3A_34, %sub3A_159 : i32
              %mul3A_161 = arith.constant 32 : i32
              %mul3A_162 = arith.muli %mul3A_161, %sub3A_160 : i32
              %add3A_163 = arith.addi %add3A, %mul3A_162 : i32
              %ge3A_164 = arith.constant 1629 : i32
              %ge3A_165 = arith.cmpi sge, %add3A_163, %ge3A_164 : i32
              %jit3A_166 = arith.constant 1629 : i32
              %jit3A_167 = arith.constant 0 : i32
              %select_n3A_168 = arith.select %ge3A_165, %jit3A_166, %jit3A_167 : i32
              %sub3A_169 = arith.subi %add3A_163, %select_n3A_168 : i32
              %lt3A_170 = arith.constant 63 : i32
              %lt3A_171 = arith.cmpi slt, %sub3A_169, %lt3A_170 : i32
              %ge3A_172 = arith.constant 162 : i32
              %ge3A_173 = arith.cmpi sge, %sub3A_169, %ge3A_172 : i32
              %lt3A_174 = arith.constant 225 : i32
              %lt3A_175 = arith.cmpi slt, %sub3A_169, %lt3A_174 : i32
              %and3A_176 = arith.andi %ge3A_173, %lt3A_175 : i1
              %add3A_177 = arith.constant 162 : i32
              %add3A_178 = arith.addi %sub3A_169, %add3A_177 : i32
              %sub3A_179 = arith.constant 162 : i32
              %sub3A_180 = arith.subi %sub3A_169, %sub3A_179 : i32
              %select_n3A_181 = arith.select %and3A_176, %sub3A_180, %sub3A_169 : i32
              %select_n3A_182 = arith.select %lt3A_171, %add3A_178, %select_n3A_181 : i32
              %add3A_183 = arith.addi %select_n3A_168, %select_n3A_182 : i32
              %or3A_184 = arith.ori %lt3A_171, %and3A_176 : i1
              %convert_element_type3A_185 = arith.extui %or3A_184 : i1 to i32
              %cond3A_186 = arith.constant 0 : i32
              %cond3A_187 = arith.cmpi ne, %convert_element_type3A_185, %cond3A_186 : i32
              scf.if %cond3A_187 {
                %dma_wait3A = arith.constant 0 : i32
                %dma_wait3A_193 = arith.constant 0 : i32
                %dma_wait3A_194 = tpu.memref_slice %arg3[%add3A_163, %dma_wait3A, %dma_wait3A_193] : memref<3258x64x256xf32, #tpu.memory_space<hbm>> -> memref<1x64x256xf32, #tpu.memory_space<hbm>>
                %dma_wait3A_195 = tpu.memref_squeeze %dma_wait3A_194 : memref<1x64x256xf32, #tpu.memory_space<hbm>> -> memref<64x256xf32, #tpu.memory_space<hbm>>
                %dma_wait3A_196 = arith.constant 0 : i32
                %dma_wait3A_197 = arith.constant 0 : i32
                %dma_wait3A_198 = tpu.memref_slice %arg3[%add3A_163, %dma_wait3A_196, %dma_wait3A_197] : memref<3258x64x256xf32, #tpu.memory_space<hbm>> -> memref<1x64x256xf32, #tpu.memory_space<hbm>>
                %dma_wait3A_199 = tpu.memref_squeeze %dma_wait3A_198 : memref<1x64x256xf32, #tpu.memory_space<hbm>> -> memref<64x256xf32, #tpu.memory_space<hbm>>
                tpu.wait_dma2 semaphore(%arg13 : memref<!tpu.dma_semaphore, #tpu.memory_space<semaphore_mem>>) src(%arg5 : memref<64x256xf32, #tpu.memory_space<vmem>>) dst(%dma_wait3A_199 : memref<64x256xf32, #tpu.memory_space<hbm>>)
              } else {
              }
              %not3A_188 = arith.constant true
              %not3A_189 = arith.xori %or3A_184, %not3A_188 : i1
              %convert_element_type3A_190 = arith.extui %not3A_189 : i1 to i32
              %cond3A_191 = arith.constant 0 : i32
              %cond3A_192 = arith.cmpi ne, %convert_element_type3A_190, %cond3A_191 : i32
              scf.if %cond3A_192 {
                %dma_wait3A = arith.constant 1 : i32
                %dma_wait3A_193 = arith.constant 0 : i32
                %dma_wait3A_194 = arith.constant 0 : i32
                %dma_wait3A_195 = tpu.memref_slice %arg3[%add3A_163, %dma_wait3A_193, %dma_wait3A_194] : memref<3258x64x256xf32, #tpu.memory_space<hbm>> -> memref<1x64x256xf32, #tpu.memory_space<hbm>>
                %dma_wait3A_196 = tpu.memref_squeeze %dma_wait3A_195 : memref<1x64x256xf32, #tpu.memory_space<hbm>> -> memref<64x256xf32, #tpu.memory_space<hbm>>
                %dma_wait3A_197 = arith.constant 0 : i32
                %dma_wait3A_198 = arith.constant 0 : i32
                %dma_wait3A_199 = tpu.memref_slice %arg11[%arg1, %dma_wait3A, %dma_wait3A_197, %dma_wait3A_198] : memref<16x2x64x256xf32, #tpu.memory_space<vmem_shared>> -> memref<1x1x64x256xf32, #tpu.memory_space<vmem_shared>>
                %dma_wait3A_200 = tpu.memref_squeeze %dma_wait3A_199 : memref<1x1x64x256xf32, #tpu.memory_space<vmem_shared>> -> memref<64x256xf32, #tpu.memory_space<vmem_shared>>
                tpu.wait_dma2 semaphore(%arg13 : memref<!tpu.dma_semaphore, #tpu.memory_space<semaphore_mem>>) src(%dma_wait3A_200 : memref<64x256xf32, #tpu.memory_space<vmem_shared>>) dst(%dma_wait3A_196 : memref<64x256xf32, #tpu.memory_space<hbm>>)
              } else {
              }
            } else {
            }
          } else {
          }
          %add3A_104 = arith.constant 1 : i32
          %add3A_105 = arith.addi %scan3A_34, %add3A_104 : i32
          %mul3A_106 = arith.constant 32 : i32
          %mul3A_107 = arith.muli %mul3A_106, %add3A_105 : i32
          %add3A_108 = arith.addi %add3A, %mul3A_107 : i32
          %lt3A_109 = arith.constant 3258 : i32
          %lt3A_110 = arith.cmpi slt, %add3A_108, %lt3A_109 : i32
          %convert_element_type3A_111 = arith.extui %lt3A_110 : i1 to i32
          %cond3A_112 = arith.constant 0 : i32
          %cond3A_113 = arith.cmpi ne, %convert_element_type3A_111, %cond3A_112 : i32
          scf.if %cond3A_113 {
            %add3A_149 = arith.constant 1 : i32
            %add3A_150 = arith.addi %scan3A_34, %add3A_149 : i32
            %mul3A_151 = arith.constant 32 : i32
            %mul3A_152 = arith.muli %mul3A_151, %add3A_150 : i32
            %add3A_153 = arith.addi %add3A, %mul3A_152 : i32
            %ge3A_154 = arith.constant 1629 : i32
            %ge3A_155 = arith.cmpi sge, %add3A_153, %ge3A_154 : i32
            %jit3A_156 = arith.constant 1629 : i32
            %jit3A_157 = arith.constant 0 : i32
            %select_n3A_158 = arith.select %ge3A_155, %jit3A_156, %jit3A_157 : i32
            %sub3A_159 = arith.subi %add3A_153, %select_n3A_158 : i32
            %lt3A_160 = arith.constant 63 : i32
            %lt3A_161 = arith.cmpi slt, %sub3A_159, %lt3A_160 : i32
            %ge3A_162 = arith.constant 162 : i32
            %ge3A_163 = arith.cmpi sge, %sub3A_159, %ge3A_162 : i32
            %lt3A_164 = arith.constant 225 : i32
            %lt3A_165 = arith.cmpi slt, %sub3A_159, %lt3A_164 : i32
            %and3A_166 = arith.andi %ge3A_163, %lt3A_165 : i1
            %add3A_167 = arith.constant 162 : i32
            %add3A_168 = arith.addi %sub3A_159, %add3A_167 : i32
            %sub3A_169 = arith.constant 162 : i32
            %sub3A_170 = arith.subi %sub3A_159, %sub3A_169 : i32
            %select_n3A_171 = arith.select %and3A_166, %sub3A_170, %sub3A_159 : i32
            %select_n3A_172 = arith.select %lt3A_161, %add3A_168, %select_n3A_171 : i32
            %add3A_173 = arith.addi %select_n3A_158, %select_n3A_172 : i32
            %or3A_174 = arith.ori %lt3A_161, %and3A_166 : i1
            %convert_element_type3A_175 = arith.extui %or3A_174 : i1 to i32
            %cond3A_176 = arith.constant 0 : i32
            %cond3A_177 = arith.cmpi ne, %convert_element_type3A_175, %cond3A_176 : i32
            scf.if %cond3A_177 {
              %dma_start3A = arith.constant 0 : i32
              %dma_start3A_183 = arith.constant 0 : i32
              %dma_start3A_184 = tpu.memref_slice %arg2[%add3A_173, %dma_start3A, %dma_start3A_183] : memref<3258x64x256xf32, #tpu.memory_space<hbm>> -> memref<1x64x256xf32, #tpu.memory_space<hbm>>
              %dma_start3A_185 = tpu.memref_squeeze %dma_start3A_184 : memref<1x64x256xf32, #tpu.memory_space<hbm>> -> memref<64x256xf32, #tpu.memory_space<hbm>>
              %dma_start3A_186 = arith.constant 0 : i32
              %dma_start3A_187 = arith.constant 0 : i32
              %dma_start3A_188 = tpu.memref_slice %arg2[%add3A_173, %dma_start3A_186, %dma_start3A_187] : memref<3258x64x256xf32, #tpu.memory_space<hbm>> -> memref<1x64x256xf32, #tpu.memory_space<hbm>>
              %dma_start3A_189 = tpu.memref_squeeze %dma_start3A_188 : memref<1x64x256xf32, #tpu.memory_space<hbm>> -> memref<64x256xf32, #tpu.memory_space<hbm>>
              tpu.enqueue_dma source(%dma_start3A_189 : memref<64x256xf32, #tpu.memory_space<hbm>>) target(%arg5 : memref<64x256xf32, #tpu.memory_space<vmem>>) target_semaphore(%arg12 : memref<!tpu.dma_semaphore, #tpu.memory_space<semaphore_mem>>)
            } else {
            }
            %not3A_178 = arith.constant true
            %not3A_179 = arith.xori %or3A_174, %not3A_178 : i1
            %convert_element_type3A_180 = arith.extui %not3A_179 : i1 to i32
            %cond3A_181 = arith.constant 0 : i32
            %cond3A_182 = arith.cmpi ne, %convert_element_type3A_180, %cond3A_181 : i32
            scf.if %cond3A_182 {
              %dma_start3A = arith.constant 1 : i32
              %dma_start3A_183 = arith.constant 0 : i32
              %dma_start3A_184 = arith.constant 0 : i32
              %dma_start3A_185 = tpu.memref_slice %arg11[%arg1, %dma_start3A, %dma_start3A_183, %dma_start3A_184] : memref<16x2x64x256xf32, #tpu.memory_space<vmem_shared>> -> memref<1x1x64x256xf32, #tpu.memory_space<vmem_shared>>
              %dma_start3A_186 = tpu.memref_squeeze %dma_start3A_185 : memref<1x1x64x256xf32, #tpu.memory_space<vmem_shared>> -> memref<64x256xf32, #tpu.memory_space<vmem_shared>>
              %dma_start3A_187 = arith.constant 0 : i32
              %dma_start3A_188 = arith.constant 0 : i32
              %dma_start3A_189 = tpu.memref_slice %arg2[%add3A_173, %dma_start3A_187, %dma_start3A_188] : memref<3258x64x256xf32, #tpu.memory_space<hbm>> -> memref<1x64x256xf32, #tpu.memory_space<hbm>>
              %dma_start3A_190 = tpu.memref_squeeze %dma_start3A_189 : memref<1x64x256xf32, #tpu.memory_space<hbm>> -> memref<64x256xf32, #tpu.memory_space<hbm>>
              tpu.enqueue_dma source(%dma_start3A_190 : memref<64x256xf32, #tpu.memory_space<hbm>>) target(%dma_start3A_186 : memref<64x256xf32, #tpu.memory_space<vmem_shared>>) target_semaphore(%arg12 : memref<!tpu.dma_semaphore, #tpu.memory_space<semaphore_mem>>)
            } else {
            }
          } else {
          }
          %convert_element_type3A_114 = arith.extui %or3A : i1 to i32
          %cond3A_115 = arith.constant 0 : i32
          %cond3A_116 = arith.cmpi ne, %convert_element_type3A_114, %cond3A_115 : i32
          scf.if %cond3A_116 {
            "tpu.region"() ({
              %run_scoped3A = tpu.sem_alloc : memref<!tpu.dma_semaphore, #tpu.memory_space<semaphore_mem>>
              %dma_start3A = arith.constant 0 : i32
              %dma_start3A_155 = arith.constant 0 : i32
              %dma_start3A_156 = tpu.memref_slice %arg2[%add3A_47, %dma_start3A, %dma_start3A_155] : memref<3258x64x256xf32, #tpu.memory_space<hbm>> -> memref<1x64x256xf32, #tpu.memory_space<hbm>>
              %dma_start3A_157 = tpu.memref_squeeze %dma_start3A_156 : memref<1x64x256xf32, #tpu.memory_space<hbm>> -> memref<64x256xf32, #tpu.memory_space<hbm>>
              %dma_start3A_158 = arith.constant 0 : i32
              %dma_start3A_159 = arith.constant 0 : i32
              %dma_start3A_160 = tpu.memref_slice %arg2[%add3A_47, %dma_start3A_158, %dma_start3A_159] : memref<3258x64x256xf32, #tpu.memory_space<hbm>> -> memref<1x64x256xf32, #tpu.memory_space<hbm>>
              %dma_start3A_161 = tpu.memref_squeeze %dma_start3A_160 : memref<1x64x256xf32, #tpu.memory_space<hbm>> -> memref<64x256xf32, #tpu.memory_space<hbm>>
              tpu.enqueue_dma source(%dma_start3A_161 : memref<64x256xf32, #tpu.memory_space<hbm>>) target(%arg6 : memref<64x256xf32, #tpu.memory_space<vmem>>) target_semaphore(%run_scoped3A : memref<!tpu.dma_semaphore, #tpu.memory_space<semaphore_mem>>)
              %dma_wait3A = arith.constant 0 : i32
              %dma_wait3A_162 = arith.constant 0 : i32
              %dma_wait3A_163 = tpu.memref_slice %arg2[%add3A_47, %dma_wait3A, %dma_wait3A_162] : memref<3258x64x256xf32, #tpu.memory_space<hbm>> -> memref<1x64x256xf32, #tpu.memory_space<hbm>>
              %dma_wait3A_164 = tpu.memref_squeeze %dma_wait3A_163 : memref<1x64x256xf32, #tpu.memory_space<hbm>> -> memref<64x256xf32, #tpu.memory_space<hbm>>
              %dma_wait3A_165 = arith.constant 0 : i32
              %dma_wait3A_166 = arith.constant 0 : i32
              %dma_wait3A_167 = tpu.memref_slice %arg2[%add3A_47, %dma_wait3A_165, %dma_wait3A_166] : memref<3258x64x256xf32, #tpu.memory_space<hbm>> -> memref<1x64x256xf32, #tpu.memory_space<hbm>>
              %dma_wait3A_168 = tpu.memref_squeeze %dma_wait3A_167 : memref<1x64x256xf32, #tpu.memory_space<hbm>> -> memref<64x256xf32, #tpu.memory_space<hbm>>
              tpu.wait_dma2 semaphore(%run_scoped3A : memref<!tpu.dma_semaphore, #tpu.memory_space<semaphore_mem>>) src(%dma_wait3A_168 : memref<64x256xf32, #tpu.memory_space<hbm>>) dst(%arg6 : memref<64x256xf32, #tpu.memory_space<vmem>>)
              tpu.yield
            }) : () -> ()
            %scan3A_149 = arith.constant 0 : i32
            %scan3A_150 = arith.constant 0 : i32
            %scan3A_151 = arith.constant 16 : i32
            %scan3A_152 = arith.addi %scan3A_150, %scan3A_151 : i32
            %scan3A_153 = arith.constant 1 : i32
            scf.for %scan3A_155 = %scan3A_150 to %scan3A_152 step %scan3A_153  : i32 {
              %mul3A_156 = arith.constant 16 : i32
              %mul3A_157 = arith.muli %scan3A_155, %mul3A_156 : i32
              %add3A_158 = vector.broadcast %mul3A_157 : i32 to vector<16xi32>
              %add3A_159 = arith.addi %add3A_158, %iota3A : vector<16xi32>
              %gather3A = tpu.vector_load_idx %arg7[%add3A_159] : memref<256xf32, #tpu.memory_space<vmem>>[vector<16xi32>], vector<16xf32>,
              %gt3A_160 = arith.constant 0.000000e+00 : f32
              %gt3A_161 = vector.broadcast %gt3A_160 : f32 to vector<16xf32>
              %gt3A_162 = arith.cmpf ogt, %gather3A, %gt3A_161 : vector<16xf32>
              %scan3A_163 = arith.constant 0 : i32
              %scan3A_164 = arith.constant 0 : i32
              %scan3A_165 = arith.constant 64 : i32
              %scan3A_166 = arith.addi %scan3A_164, %scan3A_165 : i32
              %scan3A_167 = arith.constant 1 : i32
              scf.for %scan3A_169 = %scan3A_164 to %scan3A_166 step %scan3A_167  : i32 {
                %mul3A_170 = arith.constant 0 : i32
                %mul3A_171 = vector.broadcast %mul3A_170 : i32 to vector<16xi32>
                %mul3A_172 = arith.muli %iota3A, %mul3A_171 : vector<16xi32>
                %add3A_173 = vector.broadcast %scan3A_169 : i32 to vector<16xi32>
                %add3A_174 = arith.addi %mul3A_172, %add3A_173 : vector<16xi32>
                %mul3A_175 = arith.constant 16 : i32
                %mul3A_176 = arith.muli %scan3A_155, %mul3A_175 : i32
                %add3A_177 = vector.broadcast %mul3A_176 : i32 to vector<16xi32>
                %add3A_178 = arith.addi %add3A_177, %iota3A : vector<16xi32>
                %gather3A_179 = tpu.vector_load_idx %arg4[%add3A_174, %add3A_178] : memref<64x256xf32, #tpu.memory_space<vmem>>[vector<16xi32>, vector<16xi32>], vector<16xf32>,
                %mul3A_180 = arith.constant 16 : i32
                %mul3A_181 = arith.muli %scan3A_155, %mul3A_180 : i32
                %add3A_182 = vector.broadcast %mul3A_181 : i32 to vector<16xi32>
                %add3A_183 = arith.addi %add3A_182, %iota3A : vector<16xi32>
                %gather3A_184 = tpu.vector_load_idx %arg6[%add3A_174, %add3A_183] : memref<64x256xf32, #tpu.memory_space<vmem>>[vector<16xi32>, vector<16xi32>], vector<16xf32>,
                %mul3A_185 = arith.constant 16 : i32
                %mul3A_186 = arith.muli %scan3A_155, %mul3A_185 : i32
                %add3A_187 = vector.broadcast %mul3A_186 : i32 to vector<16xi32>
                %add3A_188 = arith.addi %add3A_187, %iota3A : vector<16xi32>
                %select_n3A_189 = arith.select %gt3A_162, %gather3A_179, %gather3A_184 : vector<16xi1>, vector<16xf32>
                tpu.vector_store_idx %arg4[%add3A_174, %add3A_188], %select_n3A_189 : memref<64x256xf32, #tpu.memory_space<vmem>>[vector<16xi32>, vector<16xi32>], vector<16xf32>,
              }
              %scan3A_168 = arith.constant 64 : i32
            }
            %scan3A_154 = arith.constant 16 : i32
          } else {
          }
          %mul3A_117 = arith.constant 32 : i32
          %mul3A_118 = arith.muli %mul3A_117, %scan3A_34 : i32
          %add3A_119 = arith.addi %add3A, %mul3A_118 : i32
          %ge3A_120 = arith.constant 1629 : i32
          %ge3A_121 = arith.cmpi sge, %add3A_119, %ge3A_120 : i32
          %jit3A_122 = arith.constant 1629 : i32
          %jit3A_123 = arith.constant 0 : i32
          %select_n3A_124 = arith.select %ge3A_121, %jit3A_122, %jit3A_123 : i32
          %sub3A_125 = arith.subi %add3A_119, %select_n3A_124 : i32
          %lt3A_126 = arith.constant 63 : i32
          %lt3A_127 = arith.cmpi slt, %sub3A_125, %lt3A_126 : i32
          %ge3A_128 = arith.constant 162 : i32
          %ge3A_129 = arith.cmpi sge, %sub3A_125, %ge3A_128 : i32
          %lt3A_130 = arith.constant 225 : i32
          %lt3A_131 = arith.cmpi slt, %sub3A_125, %lt3A_130 : i32
          %and3A_132 = arith.andi %ge3A_129, %lt3A_131 : i1
          %add3A_133 = arith.constant 162 : i32
          %add3A_134 = arith.addi %sub3A_125, %add3A_133 : i32
          %sub3A_135 = arith.constant 162 : i32
          %sub3A_136 = arith.subi %sub3A_125, %sub3A_135 : i32
          %select_n3A_137 = arith.select %and3A_132, %sub3A_136, %sub3A_125 : i32
          %select_n3A_138 = arith.select %lt3A_127, %add3A_134, %select_n3A_137 : i32
          %add3A_139 = arith.addi %select_n3A_124, %select_n3A_138 : i32
          %or3A_140 = arith.ori %lt3A_127, %and3A_132 : i1
          %convert_element_type3A_141 = arith.extui %or3A_140 : i1 to i32
          %cond3A_142 = arith.constant 0 : i32
          %cond3A_143 = arith.cmpi ne, %convert_element_type3A_141, %cond3A_142 : i32
          scf.if %cond3A_143 {
            %dma_start3A = arith.constant 0 : i32
            %dma_start3A_149 = arith.constant 0 : i32
            %dma_start3A_150 = tpu.memref_slice %arg3[%add3A_119, %dma_start3A, %dma_start3A_149] : memref<3258x64x256xf32, #tpu.memory_space<hbm>> -> memref<1x64x256xf32, #tpu.memory_space<hbm>>
            %dma_start3A_151 = tpu.memref_squeeze %dma_start3A_150 : memref<1x64x256xf32, #tpu.memory_space<hbm>> -> memref<64x256xf32, #tpu.memory_space<hbm>>
            %dma_start3A_152 = arith.constant 0 : i32
            %dma_start3A_153 = arith.constant 0 : i32
            %dma_start3A_154 = tpu.memref_slice %arg3[%add3A_119, %dma_start3A_152, %dma_start3A_153] : memref<3258x64x256xf32, #tpu.memory_space<hbm>> -> memref<1x64x256xf32, #tpu.memory_space<hbm>>
            %dma_start3A_155 = tpu.memref_squeeze %dma_start3A_154 : memref<1x64x256xf32, #tpu.memory_space<hbm>> -> memref<64x256xf32, #tpu.memory_space<hbm>>
            tpu.enqueue_dma source(%arg4 : memref<64x256xf32, #tpu.memory_space<vmem>>) target(%dma_start3A_155 : memref<64x256xf32, #tpu.memory_space<hbm>>) target_semaphore(%arg13 : memref<!tpu.dma_semaphore, #tpu.memory_space<semaphore_mem>>)
          } else {
          }
          %not3A_144 = arith.constant true
          %not3A_145 = arith.xori %or3A_140, %not3A_144 : i1
          %convert_element_type3A_146 = arith.extui %not3A_145 : i1 to i32
          %cond3A_147 = arith.constant 0 : i32
          %cond3A_148 = arith.cmpi ne, %convert_element_type3A_146, %cond3A_147 : i32
          scf.if %cond3A_148 {
            %dma_start3A = arith.constant 0 : i32
            %dma_start3A_149 = arith.constant 0 : i32
            %dma_start3A_150 = arith.constant 0 : i32
            %dma_start3A_151 = tpu.memref_slice %arg3[%add3A_119, %dma_start3A_149, %dma_start3A_150] : memref<3258x64x256xf32, #tpu.memory_space<hbm>> -> memref<1x64x256xf32, #tpu.memory_space<hbm>>
            %dma_start3A_152 = tpu.memref_squeeze %dma_start3A_151 : memref<1x64x256xf32, #tpu.memory_space<hbm>> -> memref<64x256xf32, #tpu.memory_space<hbm>>
            %dma_start3A_153 = arith.constant 0 : i32
            %dma_start3A_154 = arith.constant 0 : i32
            %dma_start3A_155 = tpu.memref_slice %arg11[%arg1, %dma_start3A, %dma_start3A_153, %dma_start3A_154] : memref<16x2x64x256xf32, #tpu.memory_space<vmem_shared>> -> memref<1x1x64x256xf32, #tpu.memory_space<vmem_shared>>
            %dma_start3A_156 = tpu.memref_squeeze %dma_start3A_155 : memref<1x1x64x256xf32, #tpu.memory_space<vmem_shared>> -> memref<64x256xf32, #tpu.memory_space<vmem_shared>>
            tpu.enqueue_dma source(%dma_start3A_156 : memref<64x256xf32, #tpu.memory_space<vmem_shared>>) target(%dma_start3A_152 : memref<64x256xf32, #tpu.memory_space<hbm>>) target_semaphore(%arg13 : memref<!tpu.dma_semaphore, #tpu.memory_space<semaphore_mem>>)
          } else {
          }
        } else {
        }
      } else {
      }
      %eq3A_40 = arith.constant 1 : i32
      %eq3A_41 = arith.cmpi eq, %rem3A_35, %eq3A_40 : i32
      %convert_element_type3A_42 = arith.extui %eq3A_41 : i1 to i32
      %cond3A_43 = arith.constant 0 : i32
      %cond3A_44 = arith.cmpi ne, %convert_element_type3A_42, %cond3A_43 : i32
      scf.if %cond3A_44 {
        %mul3A_45 = arith.constant 32 : i32
        %mul3A_46 = arith.muli %mul3A_45, %scan3A_34 : i32
        %add3A_47 = arith.addi %add3A, %mul3A_46 : i32
        %lt3A_48 = arith.constant 3258 : i32
        %lt3A_49 = arith.cmpi slt, %add3A_47, %lt3A_48 : i32
        %convert_element_type3A_50 = arith.extui %lt3A_49 : i1 to i32
        %cond3A_51 = arith.constant 0 : i32
        %cond3A_52 = arith.cmpi ne, %convert_element_type3A_50, %cond3A_51 : i32
        scf.if %cond3A_52 {
          %ge3A_53 = arith.constant 1629 : i32
          %ge3A_54 = arith.cmpi sge, %add3A_47, %ge3A_53 : i32
          %jit3A = arith.constant 1629 : i32
          %jit3A_55 = arith.constant 0 : i32
          %select_n3A = arith.select %ge3A_54, %jit3A, %jit3A_55 : i32
          %sub3A = arith.subi %add3A_47, %select_n3A : i32
          %lt3A_56 = arith.constant 63 : i32
          %lt3A_57 = arith.cmpi slt, %sub3A, %lt3A_56 : i32
          %ge3A_58 = arith.constant 162 : i32
          %ge3A_59 = arith.cmpi sge, %sub3A, %ge3A_58 : i32
          %lt3A_60 = arith.constant 225 : i32
          %lt3A_61 = arith.cmpi slt, %sub3A, %lt3A_60 : i32
          %and3A = arith.andi %ge3A_59, %lt3A_61 : i1
          %add3A_62 = arith.constant 162 : i32
          %add3A_63 = arith.addi %sub3A, %add3A_62 : i32
          %sub3A_64 = arith.constant 162 : i32
          %sub3A_65 = arith.subi %sub3A, %sub3A_64 : i32
          %select_n3A_66 = arith.select %and3A, %sub3A_65, %sub3A : i32
          %select_n3A_67 = arith.select %lt3A_57, %add3A_63, %select_n3A_66 : i32
          %add3A_68 = arith.addi %select_n3A, %select_n3A_67 : i32
          %or3A = arith.ori %lt3A_57, %and3A : i1
          %mul3A_69 = arith.constant 32 : i32
          %mul3A_70 = arith.muli %mul3A_69, %scan3A_34 : i32
          %add3A_71 = arith.addi %add3A, %mul3A_70 : i32
          %ge3A_72 = arith.constant 1629 : i32
          %ge3A_73 = arith.cmpi sge, %add3A_71, %ge3A_72 : i32
          %jit3A_74 = arith.constant 1629 : i32
          %jit3A_75 = arith.constant 0 : i32
          %select_n3A_76 = arith.select %ge3A_73, %jit3A_74, %jit3A_75 : i32
          %sub3A_77 = arith.subi %add3A_71, %select_n3A_76 : i32
          %lt3A_78 = arith.constant 63 : i32
          %lt3A_79 = arith.cmpi slt, %sub3A_77, %lt3A_78 : i32
          %ge3A_80 = arith.constant 162 : i32
          %ge3A_81 = arith.cmpi sge, %sub3A_77, %ge3A_80 : i32
          %lt3A_82 = arith.constant 225 : i32
          %lt3A_83 = arith.cmpi slt, %sub3A_77, %lt3A_82 : i32
          %and3A_84 = arith.andi %ge3A_81, %lt3A_83 : i1
          %add3A_85 = arith.constant 162 : i32
          %add3A_86 = arith.addi %sub3A_77, %add3A_85 : i32
          %sub3A_87 = arith.constant 162 : i32
          %sub3A_88 = arith.subi %sub3A_77, %sub3A_87 : i32
          %select_n3A_89 = arith.select %and3A_84, %sub3A_88, %sub3A_77 : i32
          %select_n3A_90 = arith.select %lt3A_79, %add3A_86, %select_n3A_89 : i32
          %add3A_91 = arith.addi %select_n3A_76, %select_n3A_90 : i32
          %or3A_92 = arith.ori %lt3A_79, %and3A_84 : i1
          %convert_element_type3A_93 = arith.extui %or3A_92 : i1 to i32
          %cond3A_94 = arith.constant 0 : i32
          %cond3A_95 = arith.cmpi ne, %convert_element_type3A_93, %cond3A_94 : i32
          scf.if %cond3A_95 {
            %dma_wait3A = arith.constant 0 : i32
            %dma_wait3A_149 = arith.constant 0 : i32
            %dma_wait3A_150 = tpu.memref_slice %arg2[%add3A_91, %dma_wait3A, %dma_wait3A_149] : memref<3258x64x256xf32, #tpu.memory_space<hbm>> -> memref<1x64x256xf32, #tpu.memory_space<hbm>>
            %dma_wait3A_151 = tpu.memref_squeeze %dma_wait3A_150 : memref<1x64x256xf32, #tpu.memory_space<hbm>> -> memref<64x256xf32, #tpu.memory_space<hbm>>
            %dma_wait3A_152 = arith.constant 0 : i32
            %dma_wait3A_153 = arith.constant 0 : i32
            %dma_wait3A_154 = tpu.memref_slice %arg2[%add3A_91, %dma_wait3A_152, %dma_wait3A_153] : memref<3258x64x256xf32, #tpu.memory_space<hbm>> -> memref<1x64x256xf32, #tpu.memory_space<hbm>>
            %dma_wait3A_155 = tpu.memref_squeeze %dma_wait3A_154 : memref<1x64x256xf32, #tpu.memory_space<hbm>> -> memref<64x256xf32, #tpu.memory_space<hbm>>
            tpu.wait_dma2 semaphore(%arg12 : memref<!tpu.dma_semaphore, #tpu.memory_space<semaphore_mem>>) src(%dma_wait3A_155 : memref<64x256xf32, #tpu.memory_space<hbm>>) dst(%arg5 : memref<64x256xf32, #tpu.memory_space<vmem>>)
          } else {
          }
          %not3A = arith.constant true
          %not3A_96 = arith.xori %or3A_92, %not3A : i1
          %convert_element_type3A_97 = arith.extui %not3A_96 : i1 to i32
          %cond3A_98 = arith.constant 0 : i32
          %cond3A_99 = arith.cmpi ne, %convert_element_type3A_97, %cond3A_98 : i32
          scf.if %cond3A_99 {
            %dma_wait3A = arith.constant 1 : i32
            %dma_wait3A_149 = arith.constant 0 : i32
            %dma_wait3A_150 = arith.constant 0 : i32
            %dma_wait3A_151 = tpu.memref_slice %arg11[%arg1, %dma_wait3A, %dma_wait3A_149, %dma_wait3A_150] : memref<16x2x64x256xf32, #tpu.memory_space<vmem_shared>> -> memref<1x1x64x256xf32, #tpu.memory_space<vmem_shared>>
            %dma_wait3A_152 = tpu.memref_squeeze %dma_wait3A_151 : memref<1x1x64x256xf32, #tpu.memory_space<vmem_shared>> -> memref<64x256xf32, #tpu.memory_space<vmem_shared>>
            %dma_wait3A_153 = arith.constant 0 : i32
            %dma_wait3A_154 = arith.constant 0 : i32
            %dma_wait3A_155 = tpu.memref_slice %arg2[%add3A_91, %dma_wait3A_153, %dma_wait3A_154] : memref<3258x64x256xf32, #tpu.memory_space<hbm>> -> memref<1x64x256xf32, #tpu.memory_space<hbm>>
            %dma_wait3A_156 = tpu.memref_squeeze %dma_wait3A_155 : memref<1x64x256xf32, #tpu.memory_space<hbm>> -> memref<64x256xf32, #tpu.memory_space<hbm>>
            tpu.wait_dma2 semaphore(%arg12 : memref<!tpu.dma_semaphore, #tpu.memory_space<semaphore_mem>>) src(%dma_wait3A_156 : memref<64x256xf32, #tpu.memory_space<hbm>>) dst(%dma_wait3A_152 : memref<64x256xf32, #tpu.memory_space<vmem_shared>>)
          } else {
          }
          %gt3A = arith.constant 0 : i32
          %gt3A_100 = arith.cmpi sgt, %scan3A_34, %gt3A : i32
          %convert_element_type3A_101 = arith.extui %gt3A_100 : i1 to i32
          %cond3A_102 = arith.constant 0 : i32
          %cond3A_103 = arith.cmpi ne, %convert_element_type3A_101, %cond3A_102 : i32
          scf.if %cond3A_103 {
            %sub3A_149 = arith.constant 1 : i32
            %sub3A_150 = arith.subi %scan3A_34, %sub3A_149 : i32
            %mul3A_151 = arith.constant 32 : i32
            %mul3A_152 = arith.muli %mul3A_151, %sub3A_150 : i32
            %add3A_153 = arith.addi %add3A, %mul3A_152 : i32
            %lt3A_154 = arith.constant 3258 : i32
            %lt3A_155 = arith.cmpi slt, %add3A_153, %lt3A_154 : i32
            %convert_element_type3A_156 = arith.extui %lt3A_155 : i1 to i32
            %cond3A_157 = arith.constant 0 : i32
            %cond3A_158 = arith.cmpi ne, %convert_element_type3A_156, %cond3A_157 : i32
            scf.if %cond3A_158 {
              %sub3A_159 = arith.constant 1 : i32
              %sub3A_160 = arith.subi %scan3A_34, %sub3A_159 : i32
              %mul3A_161 = arith.constant 32 : i32
              %mul3A_162 = arith.muli %mul3A_161, %sub3A_160 : i32
              %add3A_163 = arith.addi %add3A, %mul3A_162 : i32
              %ge3A_164 = arith.constant 1629 : i32
              %ge3A_165 = arith.cmpi sge, %add3A_163, %ge3A_164 : i32
              %jit3A_166 = arith.constant 1629 : i32
              %jit3A_167 = arith.constant 0 : i32
              %select_n3A_168 = arith.select %ge3A_165, %jit3A_166, %jit3A_167 : i32
              %sub3A_169 = arith.subi %add3A_163, %select_n3A_168 : i32
              %lt3A_170 = arith.constant 63 : i32
              %lt3A_171 = arith.cmpi slt, %sub3A_169, %lt3A_170 : i32
              %ge3A_172 = arith.constant 162 : i32
              %ge3A_173 = arith.cmpi sge, %sub3A_169, %ge3A_172 : i32
              %lt3A_174 = arith.constant 225 : i32
              %lt3A_175 = arith.cmpi slt, %sub3A_169, %lt3A_174 : i32
              %and3A_176 = arith.andi %ge3A_173, %lt3A_175 : i1
              %add3A_177 = arith.constant 162 : i32
              %add3A_178 = arith.addi %sub3A_169, %add3A_177 : i32
              %sub3A_179 = arith.constant 162 : i32
              %sub3A_180 = arith.subi %sub3A_169, %sub3A_179 : i32
              %select_n3A_181 = arith.select %and3A_176, %sub3A_180, %sub3A_169 : i32
              %select_n3A_182 = arith.select %lt3A_171, %add3A_178, %select_n3A_181 : i32
              %add3A_183 = arith.addi %select_n3A_168, %select_n3A_182 : i32
              %or3A_184 = arith.ori %lt3A_171, %and3A_176 : i1
              %convert_element_type3A_185 = arith.extui %or3A_184 : i1 to i32
              %cond3A_186 = arith.constant 0 : i32
              %cond3A_187 = arith.cmpi ne, %convert_element_type3A_185, %cond3A_186 : i32
              scf.if %cond3A_187 {
                %dma_wait3A = arith.constant 0 : i32
                %dma_wait3A_193 = arith.constant 0 : i32
                %dma_wait3A_194 = tpu.memref_slice %arg3[%add3A_163, %dma_wait3A, %dma_wait3A_193] : memref<3258x64x256xf32, #tpu.memory_space<hbm>> -> memref<1x64x256xf32, #tpu.memory_space<hbm>>
                %dma_wait3A_195 = tpu.memref_squeeze %dma_wait3A_194 : memref<1x64x256xf32, #tpu.memory_space<hbm>> -> memref<64x256xf32, #tpu.memory_space<hbm>>
                %dma_wait3A_196 = arith.constant 0 : i32
                %dma_wait3A_197 = arith.constant 0 : i32
                %dma_wait3A_198 = tpu.memref_slice %arg3[%add3A_163, %dma_wait3A_196, %dma_wait3A_197] : memref<3258x64x256xf32, #tpu.memory_space<hbm>> -> memref<1x64x256xf32, #tpu.memory_space<hbm>>
                %dma_wait3A_199 = tpu.memref_squeeze %dma_wait3A_198 : memref<1x64x256xf32, #tpu.memory_space<hbm>> -> memref<64x256xf32, #tpu.memory_space<hbm>>
                tpu.wait_dma2 semaphore(%arg13 : memref<!tpu.dma_semaphore, #tpu.memory_space<semaphore_mem>>) src(%arg4 : memref<64x256xf32, #tpu.memory_space<vmem>>) dst(%dma_wait3A_199 : memref<64x256xf32, #tpu.memory_space<hbm>>)
              } else {
              }
              %not3A_188 = arith.constant true
              %not3A_189 = arith.xori %or3A_184, %not3A_188 : i1
              %convert_element_type3A_190 = arith.extui %not3A_189 : i1 to i32
              %cond3A_191 = arith.constant 0 : i32
              %cond3A_192 = arith.cmpi ne, %convert_element_type3A_190, %cond3A_191 : i32
              scf.if %cond3A_192 {
                %dma_wait3A = arith.constant 0 : i32
                %dma_wait3A_193 = arith.constant 0 : i32
                %dma_wait3A_194 = arith.constant 0 : i32
                %dma_wait3A_195 = tpu.memref_slice %arg3[%add3A_163, %dma_wait3A_193, %dma_wait3A_194] : memref<3258x64x256xf32, #tpu.memory_space<hbm>> -> memref<1x64x256xf32, #tpu.memory_space<hbm>>
                %dma_wait3A_196 = tpu.memref_squeeze %dma_wait3A_195 : memref<1x64x256xf32, #tpu.memory_space<hbm>> -> memref<64x256xf32, #tpu.memory_space<hbm>>
                %dma_wait3A_197 = arith.constant 0 : i32
                %dma_wait3A_198 = arith.constant 0 : i32
                %dma_wait3A_199 = tpu.memref_slice %arg11[%arg1, %dma_wait3A, %dma_wait3A_197, %dma_wait3A_198] : memref<16x2x64x256xf32, #tpu.memory_space<vmem_shared>> -> memref<1x1x64x256xf32, #tpu.memory_space<vmem_shared>>
                %dma_wait3A_200 = tpu.memref_squeeze %dma_wait3A_199 : memref<1x1x64x256xf32, #tpu.memory_space<vmem_shared>> -> memref<64x256xf32, #tpu.memory_space<vmem_shared>>
                tpu.wait_dma2 semaphore(%arg13 : memref<!tpu.dma_semaphore, #tpu.memory_space<semaphore_mem>>) src(%dma_wait3A_200 : memref<64x256xf32, #tpu.memory_space<vmem_shared>>) dst(%dma_wait3A_196 : memref<64x256xf32, #tpu.memory_space<hbm>>)
              } else {
              }
            } else {
            }
          } else {
          }
          %add3A_104 = arith.constant 1 : i32
          %add3A_105 = arith.addi %scan3A_34, %add3A_104 : i32
          %mul3A_106 = arith.constant 32 : i32
          %mul3A_107 = arith.muli %mul3A_106, %add3A_105 : i32
          %add3A_108 = arith.addi %add3A, %mul3A_107 : i32
          %lt3A_109 = arith.constant 3258 : i32
          %lt3A_110 = arith.cmpi slt, %add3A_108, %lt3A_109 : i32
          %convert_element_type3A_111 = arith.extui %lt3A_110 : i1 to i32
          %cond3A_112 = arith.constant 0 : i32
          %cond3A_113 = arith.cmpi ne, %convert_element_type3A_111, %cond3A_112 : i32
          scf.if %cond3A_113 {
            %add3A_149 = arith.constant 1 : i32
            %add3A_150 = arith.addi %scan3A_34, %add3A_149 : i32
            %mul3A_151 = arith.constant 32 : i32
            %mul3A_152 = arith.muli %mul3A_151, %add3A_150 : i32
            %add3A_153 = arith.addi %add3A, %mul3A_152 : i32
            %ge3A_154 = arith.constant 1629 : i32
            %ge3A_155 = arith.cmpi sge, %add3A_153, %ge3A_154 : i32
            %jit3A_156 = arith.constant 1629 : i32
            %jit3A_157 = arith.constant 0 : i32
            %select_n3A_158 = arith.select %ge3A_155, %jit3A_156, %jit3A_157 : i32
            %sub3A_159 = arith.subi %add3A_153, %select_n3A_158 : i32
            %lt3A_160 = arith.constant 63 : i32
            %lt3A_161 = arith.cmpi slt, %sub3A_159, %lt3A_160 : i32
            %ge3A_162 = arith.constant 162 : i32
            %ge3A_163 = arith.cmpi sge, %sub3A_159, %ge3A_162 : i32
            %lt3A_164 = arith.constant 225 : i32
            %lt3A_165 = arith.cmpi slt, %sub3A_159, %lt3A_164 : i32
            %and3A_166 = arith.andi %ge3A_163, %lt3A_165 : i1
            %add3A_167 = arith.constant 162 : i32
            %add3A_168 = arith.addi %sub3A_159, %add3A_167 : i32
            %sub3A_169 = arith.constant 162 : i32
            %sub3A_170 = arith.subi %sub3A_159, %sub3A_169 : i32
            %select_n3A_171 = arith.select %and3A_166, %sub3A_170, %sub3A_159 : i32
            %select_n3A_172 = arith.select %lt3A_161, %add3A_168, %select_n3A_171 : i32
            %add3A_173 = arith.addi %select_n3A_158, %select_n3A_172 : i32
            %or3A_174 = arith.ori %lt3A_161, %and3A_166 : i1
            %convert_element_type3A_175 = arith.extui %or3A_174 : i1 to i32
            %cond3A_176 = arith.constant 0 : i32
            %cond3A_177 = arith.cmpi ne, %convert_element_type3A_175, %cond3A_176 : i32
            scf.if %cond3A_177 {
              %dma_start3A = arith.constant 0 : i32
              %dma_start3A_183 = arith.constant 0 : i32
              %dma_start3A_184 = tpu.memref_slice %arg2[%add3A_173, %dma_start3A, %dma_start3A_183] : memref<3258x64x256xf32, #tpu.memory_space<hbm>> -> memref<1x64x256xf32, #tpu.memory_space<hbm>>
              %dma_start3A_185 = tpu.memref_squeeze %dma_start3A_184 : memref<1x64x256xf32, #tpu.memory_space<hbm>> -> memref<64x256xf32, #tpu.memory_space<hbm>>
              %dma_start3A_186 = arith.constant 0 : i32
              %dma_start3A_187 = arith.constant 0 : i32
              %dma_start3A_188 = tpu.memref_slice %arg2[%add3A_173, %dma_start3A_186, %dma_start3A_187] : memref<3258x64x256xf32, #tpu.memory_space<hbm>> -> memref<1x64x256xf32, #tpu.memory_space<hbm>>
              %dma_start3A_189 = tpu.memref_squeeze %dma_start3A_188 : memref<1x64x256xf32, #tpu.memory_space<hbm>> -> memref<64x256xf32, #tpu.memory_space<hbm>>
              tpu.enqueue_dma source(%dma_start3A_189 : memref<64x256xf32, #tpu.memory_space<hbm>>) target(%arg4 : memref<64x256xf32, #tpu.memory_space<vmem>>) target_semaphore(%arg12 : memref<!tpu.dma_semaphore, #tpu.memory_space<semaphore_mem>>)
            } else {
            }
            %not3A_178 = arith.constant true
            %not3A_179 = arith.xori %or3A_174, %not3A_178 : i1
            %convert_element_type3A_180 = arith.extui %not3A_179 : i1 to i32
            %cond3A_181 = arith.constant 0 : i32
            %cond3A_182 = arith.cmpi ne, %convert_element_type3A_180, %cond3A_181 : i32
            scf.if %cond3A_182 {
              %dma_start3A = arith.constant 0 : i32
              %dma_start3A_183 = arith.constant 0 : i32
              %dma_start3A_184 = arith.constant 0 : i32
              %dma_start3A_185 = tpu.memref_slice %arg11[%arg1, %dma_start3A, %dma_start3A_183, %dma_start3A_184] : memref<16x2x64x256xf32, #tpu.memory_space<vmem_shared>> -> memref<1x1x64x256xf32, #tpu.memory_space<vmem_shared>>
              %dma_start3A_186 = tpu.memref_squeeze %dma_start3A_185 : memref<1x1x64x256xf32, #tpu.memory_space<vmem_shared>> -> memref<64x256xf32, #tpu.memory_space<vmem_shared>>
              %dma_start3A_187 = arith.constant 0 : i32
              %dma_start3A_188 = arith.constant 0 : i32
              %dma_start3A_189 = tpu.memref_slice %arg2[%add3A_173, %dma_start3A_187, %dma_start3A_188] : memref<3258x64x256xf32, #tpu.memory_space<hbm>> -> memref<1x64x256xf32, #tpu.memory_space<hbm>>
              %dma_start3A_190 = tpu.memref_squeeze %dma_start3A_189 : memref<1x64x256xf32, #tpu.memory_space<hbm>> -> memref<64x256xf32, #tpu.memory_space<hbm>>
              tpu.enqueue_dma source(%dma_start3A_190 : memref<64x256xf32, #tpu.memory_space<hbm>>) target(%dma_start3A_186 : memref<64x256xf32, #tpu.memory_space<vmem_shared>>) target_semaphore(%arg12 : memref<!tpu.dma_semaphore, #tpu.memory_space<semaphore_mem>>)
            } else {
            }
          } else {
          }
          %convert_element_type3A_114 = arith.extui %or3A : i1 to i32
          %cond3A_115 = arith.constant 0 : i32
          %cond3A_116 = arith.cmpi ne, %convert_element_type3A_114, %cond3A_115 : i32
          scf.if %cond3A_116 {
            "tpu.region"() ({
              %run_scoped3A = tpu.sem_alloc : memref<!tpu.dma_semaphore, #tpu.memory_space<semaphore_mem>>
              %dma_start3A = arith.constant 0 : i32
              %dma_start3A_155 = arith.constant 0 : i32
              %dma_start3A_156 = tpu.memref_slice %arg2[%add3A_47, %dma_start3A, %dma_start3A_155] : memref<3258x64x256xf32, #tpu.memory_space<hbm>> -> memref<1x64x256xf32, #tpu.memory_space<hbm>>
              %dma_start3A_157 = tpu.memref_squeeze %dma_start3A_156 : memref<1x64x256xf32, #tpu.memory_space<hbm>> -> memref<64x256xf32, #tpu.memory_space<hbm>>
              %dma_start3A_158 = arith.constant 0 : i32
              %dma_start3A_159 = arith.constant 0 : i32
              %dma_start3A_160 = tpu.memref_slice %arg2[%add3A_47, %dma_start3A_158, %dma_start3A_159] : memref<3258x64x256xf32, #tpu.memory_space<hbm>> -> memref<1x64x256xf32, #tpu.memory_space<hbm>>
              %dma_start3A_161 = tpu.memref_squeeze %dma_start3A_160 : memref<1x64x256xf32, #tpu.memory_space<hbm>> -> memref<64x256xf32, #tpu.memory_space<hbm>>
              tpu.enqueue_dma source(%dma_start3A_161 : memref<64x256xf32, #tpu.memory_space<hbm>>) target(%arg6 : memref<64x256xf32, #tpu.memory_space<vmem>>) target_semaphore(%run_scoped3A : memref<!tpu.dma_semaphore, #tpu.memory_space<semaphore_mem>>)
              %dma_wait3A = arith.constant 0 : i32
              %dma_wait3A_162 = arith.constant 0 : i32
              %dma_wait3A_163 = tpu.memref_slice %arg2[%add3A_47, %dma_wait3A, %dma_wait3A_162] : memref<3258x64x256xf32, #tpu.memory_space<hbm>> -> memref<1x64x256xf32, #tpu.memory_space<hbm>>
              %dma_wait3A_164 = tpu.memref_squeeze %dma_wait3A_163 : memref<1x64x256xf32, #tpu.memory_space<hbm>> -> memref<64x256xf32, #tpu.memory_space<hbm>>
              %dma_wait3A_165 = arith.constant 0 : i32
              %dma_wait3A_166 = arith.constant 0 : i32
              %dma_wait3A_167 = tpu.memref_slice %arg2[%add3A_47, %dma_wait3A_165, %dma_wait3A_166] : memref<3258x64x256xf32, #tpu.memory_space<hbm>> -> memref<1x64x256xf32, #tpu.memory_space<hbm>>
              %dma_wait3A_168 = tpu.memref_squeeze %dma_wait3A_167 : memref<1x64x256xf32, #tpu.memory_space<hbm>> -> memref<64x256xf32, #tpu.memory_space<hbm>>
              tpu.wait_dma2 semaphore(%run_scoped3A : memref<!tpu.dma_semaphore, #tpu.memory_space<semaphore_mem>>) src(%dma_wait3A_168 : memref<64x256xf32, #tpu.memory_space<hbm>>) dst(%arg6 : memref<64x256xf32, #tpu.memory_space<vmem>>)
              tpu.yield
            }) : () -> ()
            %scan3A_149 = arith.constant 0 : i32
            %scan3A_150 = arith.constant 0 : i32
            %scan3A_151 = arith.constant 16 : i32
            %scan3A_152 = arith.addi %scan3A_150, %scan3A_151 : i32
            %scan3A_153 = arith.constant 1 : i32
            scf.for %scan3A_155 = %scan3A_150 to %scan3A_152 step %scan3A_153  : i32 {
              %mul3A_156 = arith.constant 16 : i32
              %mul3A_157 = arith.muli %scan3A_155, %mul3A_156 : i32
              %add3A_158 = vector.broadcast %mul3A_157 : i32 to vector<16xi32>
              %add3A_159 = arith.addi %add3A_158, %iota3A : vector<16xi32>
              %gather3A = tpu.vector_load_idx %arg7[%add3A_159] : memref<256xf32, #tpu.memory_space<vmem>>[vector<16xi32>], vector<16xf32>,
              %gt3A_160 = arith.constant 0.000000e+00 : f32
              %gt3A_161 = vector.broadcast %gt3A_160 : f32 to vector<16xf32>
              %gt3A_162 = arith.cmpf ogt, %gather3A, %gt3A_161 : vector<16xf32>
              %scan3A_163 = arith.constant 0 : i32
              %scan3A_164 = arith.constant 0 : i32
              %scan3A_165 = arith.constant 64 : i32
              %scan3A_166 = arith.addi %scan3A_164, %scan3A_165 : i32
              %scan3A_167 = arith.constant 1 : i32
              scf.for %scan3A_169 = %scan3A_164 to %scan3A_166 step %scan3A_167  : i32 {
                %mul3A_170 = arith.constant 0 : i32
                %mul3A_171 = vector.broadcast %mul3A_170 : i32 to vector<16xi32>
                %mul3A_172 = arith.muli %iota3A, %mul3A_171 : vector<16xi32>
                %add3A_173 = vector.broadcast %scan3A_169 : i32 to vector<16xi32>
                %add3A_174 = arith.addi %mul3A_172, %add3A_173 : vector<16xi32>
                %mul3A_175 = arith.constant 16 : i32
                %mul3A_176 = arith.muli %scan3A_155, %mul3A_175 : i32
                %add3A_177 = vector.broadcast %mul3A_176 : i32 to vector<16xi32>
                %add3A_178 = arith.addi %add3A_177, %iota3A : vector<16xi32>
                %gather3A_179 = tpu.vector_load_idx %arg5[%add3A_174, %add3A_178] : memref<64x256xf32, #tpu.memory_space<vmem>>[vector<16xi32>, vector<16xi32>], vector<16xf32>,
                %mul3A_180 = arith.constant 16 : i32
                %mul3A_181 = arith.muli %scan3A_155, %mul3A_180 : i32
                %add3A_182 = vector.broadcast %mul3A_181 : i32 to vector<16xi32>
                %add3A_183 = arith.addi %add3A_182, %iota3A : vector<16xi32>
                %gather3A_184 = tpu.vector_load_idx %arg6[%add3A_174, %add3A_183] : memref<64x256xf32, #tpu.memory_space<vmem>>[vector<16xi32>, vector<16xi32>], vector<16xf32>,
                %mul3A_185 = arith.constant 16 : i32
                %mul3A_186 = arith.muli %scan3A_155, %mul3A_185 : i32
                %add3A_187 = vector.broadcast %mul3A_186 : i32 to vector<16xi32>
                %add3A_188 = arith.addi %add3A_187, %iota3A : vector<16xi32>
                %select_n3A_189 = arith.select %gt3A_162, %gather3A_179, %gather3A_184 : vector<16xi1>, vector<16xf32>
                tpu.vector_store_idx %arg5[%add3A_174, %add3A_188], %select_n3A_189 : memref<64x256xf32, #tpu.memory_space<vmem>>[vector<16xi32>, vector<16xi32>], vector<16xf32>,
              }
              %scan3A_168 = arith.constant 64 : i32
            }
            %scan3A_154 = arith.constant 16 : i32
          } else {
          }
          %mul3A_117 = arith.constant 32 : i32
          %mul3A_118 = arith.muli %mul3A_117, %scan3A_34 : i32
          %add3A_119 = arith.addi %add3A, %mul3A_118 : i32
          %ge3A_120 = arith.constant 1629 : i32
          %ge3A_121 = arith.cmpi sge, %add3A_119, %ge3A_120 : i32
          %jit3A_122 = arith.constant 1629 : i32
          %jit3A_123 = arith.constant 0 : i32
          %select_n3A_124 = arith.select %ge3A_121, %jit3A_122, %jit3A_123 : i32
          %sub3A_125 = arith.subi %add3A_119, %select_n3A_124 : i32
          %lt3A_126 = arith.constant 63 : i32
          %lt3A_127 = arith.cmpi slt, %sub3A_125, %lt3A_126 : i32
          %ge3A_128 = arith.constant 162 : i32
          %ge3A_129 = arith.cmpi sge, %sub3A_125, %ge3A_128 : i32
          %lt3A_130 = arith.constant 225 : i32
          %lt3A_131 = arith.cmpi slt, %sub3A_125, %lt3A_130 : i32
          %and3A_132 = arith.andi %ge3A_129, %lt3A_131 : i1
          %add3A_133 = arith.constant 162 : i32
          %add3A_134 = arith.addi %sub3A_125, %add3A_133 : i32
          %sub3A_135 = arith.constant 162 : i32
          %sub3A_136 = arith.subi %sub3A_125, %sub3A_135 : i32
          %select_n3A_137 = arith.select %and3A_132, %sub3A_136, %sub3A_125 : i32
          %select_n3A_138 = arith.select %lt3A_127, %add3A_134, %select_n3A_137 : i32
          %add3A_139 = arith.addi %select_n3A_124, %select_n3A_138 : i32
          %or3A_140 = arith.ori %lt3A_127, %and3A_132 : i1
          %convert_element_type3A_141 = arith.extui %or3A_140 : i1 to i32
          %cond3A_142 = arith.constant 0 : i32
          %cond3A_143 = arith.cmpi ne, %convert_element_type3A_141, %cond3A_142 : i32
          scf.if %cond3A_143 {
            %dma_start3A = arith.constant 0 : i32
            %dma_start3A_149 = arith.constant 0 : i32
            %dma_start3A_150 = tpu.memref_slice %arg3[%add3A_119, %dma_start3A, %dma_start3A_149] : memref<3258x64x256xf32, #tpu.memory_space<hbm>> -> memref<1x64x256xf32, #tpu.memory_space<hbm>>
            %dma_start3A_151 = tpu.memref_squeeze %dma_start3A_150 : memref<1x64x256xf32, #tpu.memory_space<hbm>> -> memref<64x256xf32, #tpu.memory_space<hbm>>
            %dma_start3A_152 = arith.constant 0 : i32
            %dma_start3A_153 = arith.constant 0 : i32
            %dma_start3A_154 = tpu.memref_slice %arg3[%add3A_119, %dma_start3A_152, %dma_start3A_153] : memref<3258x64x256xf32, #tpu.memory_space<hbm>> -> memref<1x64x256xf32, #tpu.memory_space<hbm>>
            %dma_start3A_155 = tpu.memref_squeeze %dma_start3A_154 : memref<1x64x256xf32, #tpu.memory_space<hbm>> -> memref<64x256xf32, #tpu.memory_space<hbm>>
            tpu.enqueue_dma source(%arg5 : memref<64x256xf32, #tpu.memory_space<vmem>>) target(%dma_start3A_155 : memref<64x256xf32, #tpu.memory_space<hbm>>) target_semaphore(%arg13 : memref<!tpu.dma_semaphore, #tpu.memory_space<semaphore_mem>>)
          } else {
          }
          %not3A_144 = arith.constant true
          %not3A_145 = arith.xori %or3A_140, %not3A_144 : i1
          %convert_element_type3A_146 = arith.extui %not3A_145 : i1 to i32
          %cond3A_147 = arith.constant 0 : i32
          %cond3A_148 = arith.cmpi ne, %convert_element_type3A_146, %cond3A_147 : i32
          scf.if %cond3A_148 {
            %dma_start3A = arith.constant 1 : i32
            %dma_start3A_149 = arith.constant 0 : i32
            %dma_start3A_150 = arith.constant 0 : i32
            %dma_start3A_151 = tpu.memref_slice %arg3[%add3A_119, %dma_start3A_149, %dma_start3A_150] : memref<3258x64x256xf32, #tpu.memory_space<hbm>> -> memref<1x64x256xf32, #tpu.memory_space<hbm>>
            %dma_start3A_152 = tpu.memref_squeeze %dma_start3A_151 : memref<1x64x256xf32, #tpu.memory_space<hbm>> -> memref<64x256xf32, #tpu.memory_space<hbm>>
            %dma_start3A_153 = arith.constant 0 : i32
            %dma_start3A_154 = arith.constant 0 : i32
            %dma_start3A_155 = tpu.memref_slice %arg11[%arg1, %dma_start3A, %dma_start3A_153, %dma_start3A_154] : memref<16x2x64x256xf32, #tpu.memory_space<vmem_shared>> -> memref<1x1x64x256xf32, #tpu.memory_space<vmem_shared>>
            %dma_start3A_156 = tpu.memref_squeeze %dma_start3A_155 : memref<1x1x64x256xf32, #tpu.memory_space<vmem_shared>> -> memref<64x256xf32, #tpu.memory_space<vmem_shared>>
            tpu.enqueue_dma source(%dma_start3A_156 : memref<64x256xf32, #tpu.memory_space<vmem_shared>>) target(%dma_start3A_152 : memref<64x256xf32, #tpu.memory_space<hbm>>) target_semaphore(%arg13 : memref<!tpu.dma_semaphore, #tpu.memory_space<semaphore_mem>>)
          } else {
          }
        } else {
        }
      } else {
      }
    }
    %scan3A_20 = arith.constant 102 : i32
    %add3A_21 = arith.constant 3232 : i32
    %add3A_22 = arith.addi %add3A, %add3A_21 : i32
    %lt3A_23 = arith.constant 3258 : i32
    %lt3A_24 = arith.cmpi slt, %add3A_22, %lt3A_23 : i32
    %convert_element_type3A_25 = arith.extui %lt3A_24 : i1 to i32
    %cond3A_26 = arith.constant 0 : i32
    %cond3A_27 = arith.cmpi ne, %convert_element_type3A_25, %cond3A_26 : i32
    scf.if %cond3A_27 {
      %add3A_34 = arith.constant 3232 : i32
      %add3A_35 = arith.addi %add3A, %add3A_34 : i32
      %ge3A_36 = arith.constant 1629 : i32
      %ge3A_37 = arith.cmpi sge, %add3A_35, %ge3A_36 : i32
      %jit3A = arith.constant 1629 : i32
      %jit3A_38 = arith.constant 0 : i32
      %select_n3A = arith.select %ge3A_37, %jit3A, %jit3A_38 : i32
      %sub3A = arith.subi %add3A_35, %select_n3A : i32
      %lt3A_39 = arith.constant 63 : i32
      %lt3A_40 = arith.cmpi slt, %sub3A, %lt3A_39 : i32
      %ge3A_41 = arith.constant 162 : i32
      %ge3A_42 = arith.cmpi sge, %sub3A, %ge3A_41 : i32
      %lt3A_43 = arith.constant 225 : i32
      %lt3A_44 = arith.cmpi slt, %sub3A, %lt3A_43 : i32
      %and3A = arith.andi %ge3A_42, %lt3A_44 : i1
      %add3A_45 = arith.constant 162 : i32
      %add3A_46 = arith.addi %sub3A, %add3A_45 : i32
      %sub3A_47 = arith.constant 162 : i32
      %sub3A_48 = arith.subi %sub3A, %sub3A_47 : i32
      %select_n3A_49 = arith.select %and3A, %sub3A_48, %sub3A : i32
      %select_n3A_50 = arith.select %lt3A_40, %add3A_46, %select_n3A_49 : i32
      %add3A_51 = arith.addi %select_n3A, %select_n3A_50 : i32
      %or3A = arith.ori %lt3A_40, %and3A : i1
      %convert_element_type3A_52 = arith.extui %or3A : i1 to i32
      %cond3A_53 = arith.constant 0 : i32
      %cond3A_54 = arith.cmpi ne, %convert_element_type3A_52, %cond3A_53 : i32
      scf.if %cond3A_54 {
        %dma_wait3A = arith.constant 0 : i32
        %dma_wait3A_59 = arith.constant 0 : i32
        %dma_wait3A_60 = tpu.memref_slice %arg3[%add3A_35, %dma_wait3A, %dma_wait3A_59] : memref<3258x64x256xf32, #tpu.memory_space<hbm>> -> memref<1x64x256xf32, #tpu.memory_space<hbm>>
        %dma_wait3A_61 = tpu.memref_squeeze %dma_wait3A_60 : memref<1x64x256xf32, #tpu.memory_space<hbm>> -> memref<64x256xf32, #tpu.memory_space<hbm>>
        %dma_wait3A_62 = arith.constant 0 : i32
        %dma_wait3A_63 = arith.constant 0 : i32
        %dma_wait3A_64 = tpu.memref_slice %arg3[%add3A_35, %dma_wait3A_62, %dma_wait3A_63] : memref<3258x64x256xf32, #tpu.memory_space<hbm>> -> memref<1x64x256xf32, #tpu.memory_space<hbm>>
        %dma_wait3A_65 = tpu.memref_squeeze %dma_wait3A_64 : memref<1x64x256xf32, #tpu.memory_space<hbm>> -> memref<64x256xf32, #tpu.memory_space<hbm>>
        tpu.wait_dma2 semaphore(%arg13 : memref<!tpu.dma_semaphore, #tpu.memory_space<semaphore_mem>>) src(%arg5 : memref<64x256xf32, #tpu.memory_space<vmem>>) dst(%dma_wait3A_65 : memref<64x256xf32, #tpu.memory_space<hbm>>)
      } else {
      }
      %not3A = arith.constant true
      %not3A_55 = arith.xori %or3A, %not3A : i1
      %convert_element_type3A_56 = arith.extui %not3A_55 : i1 to i32
      %cond3A_57 = arith.constant 0 : i32
      %cond3A_58 = arith.cmpi ne, %convert_element_type3A_56, %cond3A_57 : i32
      scf.if %cond3A_58 {
        %dma_wait3A = arith.constant 1 : i32
        %dma_wait3A_59 = arith.constant 0 : i32
        %dma_wait3A_60 = arith.constant 0 : i32
        %dma_wait3A_61 = tpu.memref_slice %arg3[%add3A_35, %dma_wait3A_59, %dma_wait3A_60] : memref<3258x64x256xf32, #tpu.memory_space<hbm>> -> memref<1x64x256xf32, #tpu.memory_space<hbm>>
        %dma_wait3A_62 = tpu.memref_squeeze %dma_wait3A_61 : memref<1x64x256xf32, #tpu.memory_space<hbm>> -> memref<64x256xf32, #tpu.memory_space<hbm>>
        %dma_wait3A_63 = arith.constant 0 : i32
        %dma_wait3A_64 = arith.constant 0 : i32
        %dma_wait3A_65 = tpu.memref_slice %arg11[%arg1, %dma_wait3A, %dma_wait3A_63, %dma_wait3A_64] : memref<16x2x64x256xf32, #tpu.memory_space<vmem_shared>> -> memref<1x1x64x256xf32, #tpu.memory_space<vmem_shared>>
        %dma_wait3A_66 = tpu.memref_squeeze %dma_wait3A_65 : memref<1x1x64x256xf32, #tpu.memory_space<vmem_shared>> -> memref<64x256xf32, #tpu.memory_space<vmem_shared>>
        tpu.wait_dma2 semaphore(%arg13 : memref<!tpu.dma_semaphore, #tpu.memory_space<semaphore_mem>>) src(%dma_wait3A_66 : memref<64x256xf32, #tpu.memory_space<vmem_shared>>) dst(%dma_wait3A_62 : memref<64x256xf32, #tpu.memory_space<hbm>>)
      } else {
      }
    } else {
    }
    %add3A_28 = arith.constant 3232 : i32
    %add3A_29 = arith.addi %add3A, %add3A_28 : i32
    %ge3A = arith.constant 3258 : i32
    %ge3A_30 = arith.cmpi sge, %add3A_29, %ge3A : i32
    %convert_element_type3A_31 = arith.extui %ge3A_30 : i1 to i32
    %cond3A_32 = arith.constant 0 : i32
    %cond3A_33 = arith.cmpi ne, %convert_element_type3A_31, %cond3A_32 : i32
    scf.if %cond3A_33 {
      %add3A_34 = arith.constant 3200 : i32
      %add3A_35 = arith.addi %add3A, %add3A_34 : i32
      %ge3A_36 = arith.constant 1629 : i32
      %ge3A_37 = arith.cmpi sge, %add3A_35, %ge3A_36 : i32
      %jit3A = arith.constant 1629 : i32
      %jit3A_38 = arith.constant 0 : i32
      %select_n3A = arith.select %ge3A_37, %jit3A, %jit3A_38 : i32
      %sub3A = arith.subi %add3A_35, %select_n3A : i32
      %lt3A_39 = arith.constant 63 : i32
      %lt3A_40 = arith.cmpi slt, %sub3A, %lt3A_39 : i32
      %ge3A_41 = arith.constant 162 : i32
      %ge3A_42 = arith.cmpi sge, %sub3A, %ge3A_41 : i32
      %lt3A_43 = arith.constant 225 : i32
      %lt3A_44 = arith.cmpi slt, %sub3A, %lt3A_43 : i32
      %and3A = arith.andi %ge3A_42, %lt3A_44 : i1
      %add3A_45 = arith.constant 162 : i32
      %add3A_46 = arith.addi %sub3A, %add3A_45 : i32
      %sub3A_47 = arith.constant 162 : i32
      %sub3A_48 = arith.subi %sub3A, %sub3A_47 : i32
      %select_n3A_49 = arith.select %and3A, %sub3A_48, %sub3A : i32
      %select_n3A_50 = arith.select %lt3A_40, %add3A_46, %select_n3A_49 : i32
      %add3A_51 = arith.addi %select_n3A, %select_n3A_50 : i32
      %or3A = arith.ori %lt3A_40, %and3A : i1
      %convert_element_type3A_52 = arith.extui %or3A : i1 to i32
      %cond3A_53 = arith.constant 0 : i32
      %cond3A_54 = arith.cmpi ne, %convert_element_type3A_52, %cond3A_53 : i32
      scf.if %cond3A_54 {
        %dma_wait3A = arith.constant 0 : i32
        %dma_wait3A_59 = arith.constant 0 : i32
        %dma_wait3A_60 = tpu.memref_slice %arg3[%add3A_35, %dma_wait3A, %dma_wait3A_59] : memref<3258x64x256xf32, #tpu.memory_space<hbm>> -> memref<1x64x256xf32, #tpu.memory_space<hbm>>
        %dma_wait3A_61 = tpu.memref_squeeze %dma_wait3A_60 : memref<1x64x256xf32, #tpu.memory_space<hbm>> -> memref<64x256xf32, #tpu.memory_space<hbm>>
        %dma_wait3A_62 = arith.constant 0 : i32
        %dma_wait3A_63 = arith.constant 0 : i32
        %dma_wait3A_64 = tpu.memref_slice %arg3[%add3A_35, %dma_wait3A_62, %dma_wait3A_63] : memref<3258x64x256xf32, #tpu.memory_space<hbm>> -> memref<1x64x256xf32, #tpu.memory_space<hbm>>
        %dma_wait3A_65 = tpu.memref_squeeze %dma_wait3A_64 : memref<1x64x256xf32, #tpu.memory_space<hbm>> -> memref<64x256xf32, #tpu.memory_space<hbm>>
        tpu.wait_dma2 semaphore(%arg13 : memref<!tpu.dma_semaphore, #tpu.memory_space<semaphore_mem>>) src(%arg4 : memref<64x256xf32, #tpu.memory_space<vmem>>) dst(%dma_wait3A_65 : memref<64x256xf32, #tpu.memory_space<hbm>>)
      } else {
      }
      %not3A = arith.constant true
      %not3A_55 = arith.xori %or3A, %not3A : i1
      %convert_element_type3A_56 = arith.extui %not3A_55 : i1 to i32
      %cond3A_57 = arith.constant 0 : i32
      %cond3A_58 = arith.cmpi ne, %convert_element_type3A_56, %cond3A_57 : i32
      scf.if %cond3A_58 {
        %dma_wait3A = arith.constant 0 : i32
        %dma_wait3A_59 = arith.constant 0 : i32
        %dma_wait3A_60 = arith.constant 0 : i32
        %dma_wait3A_61 = tpu.memref_slice %arg3[%add3A_35, %dma_wait3A_59, %dma_wait3A_60] : memref<3258x64x256xf32, #tpu.memory_space<hbm>> -> memref<1x64x256xf32, #tpu.memory_space<hbm>>
        %dma_wait3A_62 = tpu.memref_squeeze %dma_wait3A_61 : memref<1x64x256xf32, #tpu.memory_space<hbm>> -> memref<64x256xf32, #tpu.memory_space<hbm>>
        %dma_wait3A_63 = arith.constant 0 : i32
        %dma_wait3A_64 = arith.constant 0 : i32
        %dma_wait3A_65 = tpu.memref_slice %arg11[%arg1, %dma_wait3A, %dma_wait3A_63, %dma_wait3A_64] : memref<16x2x64x256xf32, #tpu.memory_space<vmem_shared>> -> memref<1x1x64x256xf32, #tpu.memory_space<vmem_shared>>
        %dma_wait3A_66 = tpu.memref_squeeze %dma_wait3A_65 : memref<1x1x64x256xf32, #tpu.memory_space<vmem_shared>> -> memref<64x256xf32, #tpu.memory_space<vmem_shared>>
        tpu.wait_dma2 semaphore(%arg13 : memref<!tpu.dma_semaphore, #tpu.memory_space<semaphore_mem>>) src(%dma_wait3A_66 : memref<64x256xf32, #tpu.memory_space<vmem_shared>>) dst(%dma_wait3A_62 : memref<64x256xf32, #tpu.memory_space<hbm>>)
      } else {
      }
    } else {
    }
    return
  }
}

</mosaic_0001>

<sc_bundles>
// kernel: _hand_dominance_sc.3.cloned.1.call-start
scs
__scs_entry_jumppad:
0x0: {  	(pc) =	sbr.rel $0x88, $3  }
0x1: {  	(tag) =	ssettag $0x0;
	lr =	simm.s32 $0x1  }
0x2: {  	[smem:$0x3FA0] =	sst lr;
	_ =	strace $0xD0000000  }
0x3: {  	_ = 	snop  }
0x4: {  	_ = 	snop  }
0x5: {  	_ = 	snop  }
0x6: {  	_ = 	snop  }
0x7: {  	_ = 	snop  }
__scs_overlays_trampoline_lowered:
0x8: {  	[smem:$0x3FAF] =	sst s0  }
0x9: {  	[smem:$0x3FB0] =	sst s1  }
0xa: {  	[smem:$0x3FB1] =	sst s2  }
0xb: {  	[smem:$0x3FB2] =	sst s3  }
0xc: {  	[smem:$0x3FB3] =	sst s4  }
0xd: {  	[smem:$0x3FB4] =	sst s5  }
0xe: {  	[smem:$0x3FB5] =	sst s6  }
0xf: {  	[smem:$0x3FB6] =	sst s7  }
0x10: {  	[smem:$0x3FB7] =	sst s8  }
0x11: {  	[smem:$0x3FB8] =	sst s9;
	s0 =	simm.s32 @!p0 $0x0  }
0x12: {  	s1 =	sld [smem:$0x3F9E];
	s0 =	simm.s32 @p0 $0x1  }
0x13: {  	[smem:$0x3FB9] =	sst s0;
	s0 =	simm.s32 @!p1 $0x0  }
0x14: {  	s2 =	sld [smem:$0x3F9D];
	s0 =	simm.s32 @p1 $0x1  }
0x15: {  	[smem:$0x3FBA] =	sst s0;
	s0 =	simm.s32 @!p2 $0x0  }
0x16: {  	s3 =	sld [smem:$0x3FDB];
	s0 =	simm.s32 @p2 $0x1  }
0x17: {  	s4 =	simm.s32 $0x1BF5;
	[smem:$0x3FBC] =	sst s0  }
0x18: {  	s0 =	sld [smem:$0x3F9F];
	_ =	swait.ge [sflag:s4], $0x0  }
0x19: {  	s7 =	sld [smem:$0x3FA0]  }
0x1a: {  	s8 =	sadd.s32 $0xFFFFE003, lr  }
0x1b: {  	s9 =	sadd.s32 $0xFFFFFEF7, lr;
	s5 =	simm.s32 $0xFFFFFFFF;
	p2 =	slt.u32 s8, $0xFFFFF086  }
0x1c: {  	p1 =	slt.u32 s9, $0xF7A;
	s5 =	simm.s32 @!p2 $0x0  }
0x1d: {  	s5 =	simm.s32 @p1 $0x1;
	p0 =	seq.s32 s7, s2  }
0x1e: {  	s7 =	smul.u32 @!p0 $0xF7A, s2;
	p2 =	seq.s32 @!p0 s5, $0x0  }
0x1f: {  	s9 =	smul.u32 $0xF7A, s1;
	s8 =	simm.s32 @!p0 $0x1BF5;
	p2 =	por !p2, p0  }
0x20: {  	[sflag:s8] =	ssyncset.s32 @!p0 $0xFFFFF086;
	s6 =	sadd.s32 @!p0 s3, s7;
	s7 =	simm.s32 @!p0 $0x108  }
0x21: {  	s3 =	sadd.s32 s3, s9;
	s6 =	sadd.s32 @!p0 $0x88, s6;
	s7 =	simm.s32 @p2 $0x1082  }
0x22: {  	[simem:s7], [sflag:s8] =	dma.local @!p0 [hbm:s6], $0xF7A  }
0x23: {  	s9 =	sor.u32 $0xD0000000, s2;
	s6 =	simm.s32 $0x108;
	_ =	swait.ge @!p0 [sflag:s8], $0x0  }
0x24: {  	s3 =	sadd.s32 $0x88, s3;
	s6 =	simm.s32 @!p1 $0x1082;
	[sflag:s4] =	ssyncset.s32 $0xFFFFF086  }
0x25: {  	[simem:s6], [sflag:s4] =	dma.local [hbm:s3], $0xF7A  }
0x26: {  	[smem:$0x3FA0] =	sst s1;
	(tag) =	ssettag s2;
	_ =	strace s9  }
0x27: {  	s1 =	sld [smem:$0x3FB0]  }
0x28: {  	s2 =	sld [smem:$0x3FB1]  }
0x29: {  	s4 =	sld [smem:$0x3FB3]  }
0x2a: {  	p0 =	seq.s32 s5, $0x0;
	s5 =	sld [smem:$0x3FB4]  }
0x2b: {  	s6 =	sld [smem:$0x3FB5]  }
0x2c: {  	s7 =	sld [smem:$0x3FB6]  }
0x2d: {  	s3 =	simm.s32 $0x108;
	s8 =	sld [smem:$0x3FB7]  }
0x2e: {  	s3 =	simm.s32 @!p0 $0x1082;
	s9 =	sld [smem:$0x3FB8]  }
0x2f: {  	lr =	sadd.s32 s0, s3;
	s0 =	sld [smem:$0x3FAF]  }
0x30: {  	s3 =	sld [smem:$0x3FB2]  }
0x31: {  	[smem:$0x3FBB] =	sst s10  }
0x32: {  	s10 =	sld [smem:$0x3FB9];
	_ =	sdelay $0x3  }
0x33: {  	p0 =	seq.s32 s10, $0x1;
	s10 =	sld [smem:$0x3FBB];
	_ =	sdelay $0x3  }
0x34: {  	[smem:$0x3FBB] =	sst s10  }
0x35: {  	s10 =	sld [smem:$0x3FBA];
	_ =	sdelay $0x3  }
0x36: {  	p1 =	seq.s32 s10, $0x1;
	s10 =	sld [smem:$0x3FBB];
	_ =	sdelay $0x3  }
0x37: {  	[smem:$0x3FBB] =	sst s10  }
0x38: {  	s10 =	sld [smem:$0x3FBC]  }
0x39: {  	_ = 	snop;
	(pc) =	sbr.ind lr, $3  }
0x3a: {  	_ = 	snop  }
0x3b: {  	_ = 	snop  }
0x3c: {  	p2 =	seq.s32 s10, $0x1;
	s10 =	sld [smem:$0x3FBB]  }
0x3d: {  	_ =	shalt  }
0x3e: {  	_ =	shalt  }
0x3f: {  	_ =	shalt  }
0x40: {  	_ =	shalt  }
0x41: {  	_ =	shalt  }
0x42: {  	_ =	shalt  }
0x43: {  	_ =	shalt  }
0x44: {  	_ =	shalt  }
0x45: {  	_ =	shalt  }
0x46: {  	_ =	shalt  }
0x47: {  	_ =	shalt  }
0x48: {  	_ =	shalt  }
0x49: {  	_ =	shalt  }
0x4a: {  	_ =	shalt  }
0x4b: {  	_ =	shalt  }
0x4c: {  	_ =	shalt  }
0x4d: {  	_ =	shalt  }
0x4e: {  	_ =	shalt  }
0x4f: {  	_ =	shalt  }
0x50: {  	_ =	shalt  }
0x51: {  	_ =	shalt  }
0x52: {  	_ =	shalt  }
0x53: {  	_ =	shalt  }
0x54: {  	_ =	shalt  }
0x55: {  	_ =	shalt  }
0x56: {  	_ =	shalt  }
0x57: {  	_ =	shalt  }
0x58: {  	_ =	shalt  }
0x59: {  	_ =	shalt  }
0x5a: {  	_ =	shalt  }
0x5b: {  	_ =	shalt  }
0x5c: {  	_ =	shalt  }
0x5d: {  	_ =	shalt  }
0x5e: {  	_ =	shalt  }
0x5f: {  	_ =	shalt  }
0x60: {  	_ =	shalt  }
0x61: {  	_ =	shalt  }
0x62: {  	_ =	shalt  }
0x63: {  	_ =	shalt  }
0x64: {  	_ =	shalt  }
0x65: {  	_ =	shalt  }
0x66: {  	_ =	shalt  }
0x67: {  	_ =	shalt  }
0x68: {  	_ =	shalt  }
0x69: {  	_ =	shalt  }
0x6a: {  	_ =	shalt  }
0x6b: {  	_ =	shalt  }
0x6c: {  	_ =	shalt  }
0x6d: {  	_ =	shalt  }
0x6e: {  	_ =	shalt  }
0x6f: {  	_ =	shalt  }
0x70: {  	_ =	shalt  }
0x71: {  	_ =	shalt  }
0x72: {  	_ =	shalt  }
0x73: {  	_ =	shalt  }
0x74: {  	_ =	shalt  }
0x75: {  	_ =	shalt  }
0x76: {  	_ =	shalt  }
0x77: {  	_ =	shalt  }
0x78: {  	_ =	shalt  }
0x79: {  	_ =	shalt  }
0x7a: {  	_ =	shalt  }
0x7b: {  	_ =	shalt  }
0x7c: {  	_ =	shalt  }
0x7d: {  	_ =	shalt  }
0x7e: {  	_ =	shalt  }
0x7f: {  	_ =	shalt  }
0x80: {  	_ =	shalt  }
0x81: {  	_ =	shalt  }
0x82: {  	_ =	shalt  }
0x83: {  	_ =	shalt  }
0x84: {  	_ =	shalt  }
0x85: {  	_ =	shalt  }
0x86: {  	_ =	shalt  }
0x87: {  	_ =	shalt  }
.Lfunc_end0:
.L_simem_size_0:
called_computation_lowered:
.L_overlay_start_0:
0x88: {  	s2 =	sld [smem:$0x3FD9]  }
0x89: {  	s3 =	sld [smem:$0x3FFE];
	_ =	sdelay $0x1  }
0x8a: {  	s1 =	srdreg.scid  }
0x8b: {  	s0 =	sand.u32 $0x1, s1  }
0x8c: {  	s18 =	sshll.u32 s0, $0xA;
	s2 =	sadd.s32 s3, s2  }
0x8d: {  	s2 =	sadd.s32 s2, s18  }
0x8e: {  	[smem:$0x3FC7] =	sst s2  }
0x8f: {  	_ = 	snop  }
0x90: {  	s2 =	sld [smem:$0x3FC9]  }
0x91: {  	s19 =	sld [smem:$0x3FD0];
	(tm) =	ssettm $0x1  }
0x92: {  	s4 =	sld [smem:$0x3FFB];
	_ =	sdelay $0x3  }
0x93: {  	_ =	strace s4  }
0x94: {  	s4 =	sld [smem:$0x3FFC];
	_ =	sdelay $0x3  }
0x95: {  	_ =	strace s4  }
0x96: {  	s4 =	sld [smem:$0x3FFD];
	_ =	sdelay $0x3  }
0x97: {  	_ =	strace s4  }
0x98: {  	_ =	strace $0x8FFFFFFF  }
0x99: {  	s20 =	sld [smem:$0x3FDB];
	_ =	sdelay $0x1  }
0x9a: {  	s5 =	simm.s32 $_scs_section_size  }
0x9b: {  	s6 =	simm.s32 $_size__tile_overlayer_lowered;
	s7 =	simm.s32 $_tile_overlayer_lowered  }
0x9c: {  	s23 =	simm.s32 $0x1BFF;
	s22 =	sshll.u32 s7, $0x1;
	s4 =	sadd.s32 s5, s20  }
0x9d: {  	s8 =	simm.s32 $0x0;
	s21 =	sshll.u32 s6, $0x1;
	s6 =	sadd.s32 s22, s4  }
0x9e: {  	[timem:s8], [sflag:s23] =	dma.local [hbm:s6], s21  }
0x9f: {  	_ =	swait.ge [sflag:s23], s21  }
0xa0: {  	s5 =	ssub.s32 $0x0, s21;
	[sflag:s23] =	ssyncset.done $0x0  }
0xa1: {  	[sflag:s23] =	ssyncadd.s32 s5;
	_ =	sdelay $0x1  }
0xa2: {  	s24 =	simm.s32 $0x1B8B  }
0xa3: {  	_ =	swait.ge [sflag:s24], $0x1  }
0xa4: {  	[sflag:s24] =	ssyncset.done $0x0  }
0xa5: {  	s25 =	simm.s32 $0x1B8E;
	[sflag:s24] =	ssyncadd.s32 $0xFFFFFFFF  }
0xa6: {  	s26 =	simm.s32 $execute0_lowered;
	[smem:$0x3FD2] =	sst s25  }
0xa7: {  	s5 =	sshll.u32 s26, $0x1;
	_ =	strace $0x80000046;
	[dreg:$0x1] =	wrdreg $0xFFFFFFFF  }
0xa8: {  	s28 =	simm.s32 $_size_execute0_lowered;
	s4 =	sadd.s32 s4, s5;
	[dreg:$0x0] =	wrdreg $0x0  }
0xa9: {  	s5 =	sshll.u32 s28, $0x1;
	[dreg:$0x2] =	wrdreg s4  }
0xaa: {  	[dreg:$0x3] =	wrdreg s5  }
0xab: {  	[dreg:$0x4] =	wrdreg $0xC0  }
0xac: {  	_ =	task [dreg:s8], $0x5FFFF  }
0xad: {  	[dreg:$0x1] =	wrdreg $0xFFFFFFFF  }
0xae: {  	[dreg:$0x0] =	wrdreg $0x60  }
0xaf: {  	[dreg:$0x2] =	wrdreg s2  }
0xb0: {  	[dreg:$0x3] =	wrdreg s19  }
0xb1: {  	[dreg:$0x4] =	wrdreg $0xC8000  }
0xb2: {  	[dreg:$0x5] =	wrdreg $0xC8600  }
0xb3: {  	[dreg:$0x6] =	wrdreg $0x9  }
0xb4: {  	_ =	task.clear_ibuf [dreg:s8], $0x7FFFF;
	_ =	strace $0x90000046  }
0xb5: {  	s29 =	simm.s32 $0x9;
	_ =	strace $0x80000048  }
0xb6: {  	_ =	swait.ge [sflag:s29], $0x1  }
0xb7: {  	[sflag:s29] =	ssyncadd.s32 $0xFFFFFFFF  }
0xb8: {  	_ =	strace $0x90000048  }
0xb9: {  	_ =	sfence  }
0xba: {  	s30 =	sld [smem:$0x0];
	_ =	sdelay $0x2  }
0xbb: {  	s31 =	sshll.u32 s1, $0xD;
	s1 =	sshrl.u32 s1, $0x2  }
0xbc: {  	s3 =	sand.u32 $0x4000, s31;
	s1 =	sadd.s32 s1, s30  }
0xbd: {  	s0 =	sor.u32 s3, s0;
	s1 =	sshll.u32 s1, $0x11  }
0xbe: {  	s0 =	sor.u32 s1, s0  }
0xbf: {  	s0 =	sadd.s32 $0x8F2B, s0  }
0xc0: {  	[sflag:s0] =	ssyncadd.remote.s32 $0x1  }
0xc1: {  	_ =	sfence.sel $0xFFFF  }
0xc2: {  	[dreg:$0x0] =	wrdreg $0xFFFFFFFF;
	(pc) =	sbr.abs _section_cstart, $3  }
0xc3: {  	[dreg:$0x1] =	wrdreg $0xFFFFFFFF  }
0xc4: {  	_ =	task.clear_ibuf [dreg:s8], $0x2FFFF;
	_ =	strace $0x9FFFFFFF  }
0xc5: {  	(tm) =	ssettm $0x7FFFFFFF  }
tec
execute0_lowered:
.L_overlay_start_1:
0x0: {  	(tag) =	ssettag $0x1  }
0x1: {  	s1 =	rddreg [dreg:$0x0]  }
0x2: {  	s2 =	rddreg [dreg:$0x1]  }
0x3: {  	s3 =	rddreg [dreg:$0x2]  }
0x4: {  	s11 =	rddreg [dreg:$0x3]  }
0x5: {  	s4 =	srdreg.scid;
	s0 =	rddreg [dreg:$0x4]  }
0x6: {  	s5 =	simm.s32 $0x0;
	s9 =	simm.s32 $0x65D;
	s20 =	simm.f32 $-1.000000000e+00  }
0x7: {  	s15 =	simm.s32 $0x3;
	s16 =	simm.s32 $0xC100;
	s17 =	simm.s32 $0xC200  }
0x8: {  	s18 =	simm.s32 $0xC000;
	s19 =	simm.s32 $0x2;
	s21 =	simm.s32 $0x4000  }
0x9: {  	s22 =	simm.s32 $0x0;
	s6 =	sand.u32 $0x1, s4;
	s4 =	stileid.u32  }
0xa: {  	[smem:$0x7FF] =	sst s5;
	s7 =	ssub.s32 $0x2, s6;
	p0 =	slt.u32 s4, $0x3  }
0xb: {  	_ =	strace $0x80000047;
	s26 =	sshll.u32 s4, $0x1;
	s30 =	sshll.u32 s4, $0x8  }
0xc: {  	s12 =	sshll.u32 s4, $0xF;
	s8 =	sshrl.u32 s7, $0x1;
	s9 =	simm.s32 @!p0 $0x6FC  }
0xd: {  	s6 =	sor.u32 s6, s26;
	s20 =	simm.s32 @!p0 $0x3F800000;
	s11 =	sadd.s32 s12, s11  }
.Ltmp0:
0xe: {  	p0 =	sgt.u32 s4, $0x5;
	s14 =	ssub.s32 s7, s8;
	(pc) =	sbr.rel .LBB2_1-.Ltmp0, $4  }
0xf: {  	s28 =	sadd.s32 s4, s9;
	s31 =	sshll.u32 s6, $0xB;
	s8 =	sadd.s32 s30, s3  }
0x10: {  	s10 =	sor.u32 $0xFFFFFFE0, s6;
	s12 =	sor.u32 $0x20, s6;
	s13 =	sadd.s32 $0x4000, s11  }
0x11: {  	v0 =	vmov s20;
	s20 =	simm.s32 $0x8000;
	s29 =	sshll.u32 s28, $0xB;
	s9 =	sadd.s32 s31, s1  }
0x12: {  	v1 =	vlaneseq.u32;
	s14 =	smax.u32 s14, $0x1;
	s7 =	sadd.s32 s1, s29;
	s9 =	sadd.s32 $0x51000, s9  }
.LBB2_34:
0x13: {  	s22 =	sadd.s32 $0x1, s22  }
0x14: {  	p1 =	sne.s32 s22, s14  }
.Ltmp1:
0x15: {  	_ = 	snop;
	(pc) =	sbr.rel @!p1 .LBB2_35-.Ltmp1, $4  }
0x16: {  	_ = 	snop  }
0x17: {  	_ =	swait.ge [sflag:s19], $0x800  }
0x18: {  	[sflag:s19] =	ssyncset.done $0x0  }
0x19: {  	[sflag:s19] =	ssyncadd.s32 $0xFFFFF800  }
.LBB2_1:
.Ltmp2:
0x1a: {  	(pc) =	sbr.rel @p0 .LBB2_7-.Ltmp2, $1  }
0x1b: {  	_ =	sdelay $0x3  }
0x1c: {  	s23 =	simm.s32 $0x0  }
0x1d: {  	[tilespmem:s23], [sflag:$0x3] =	stream.linear.gather [hbm4b:s7+s23], $0x4000, $0x38;
	[tilespmem:$0x14860] =	vst v63  }
0x1e: {  	_ =	swait.ge [sflag:s15], $0x4000  }
0x1f: {  	[sflag:s15] =	ssyncset.done $0x0  }
0x20: {  	s24 =	simm.s32 $0x0;
	[sflag:s15] =	ssyncadd.s32 $0xFFFFC000  }
.LBB2_3:
0x21: {  	s25 =	sshll.u32 s24, $0x4  }
0x22: {  	v3 =	vmov s25  }
0x23: {  	v4 =	vmov s23;
	v2 =	vor.u32 s25, v1;
	v3 =	vshll.u32 v3, $0x3  }
0x24: {  	v6 =	vshll.u32 v4, $0x8;
	v5 =	vand.u32 $0x7F, v2;
	v3 =	vand.u32 $0x400, v3  }
0x25: {  	v4 =	vshll.u32 v4, $0x7;
	v3 =	vor.u32 v3, v5;
	v5 =	vand.u32 $0x3800, v6  }
0x26: {  	v4 =	vand.u32 $0x380, v4;
	v5 =	vor.u32 v5, v3  }
0x27: {  	s31 =	simm.s32 $0x1;
	v5 =	vor.u32 v4, v5  }
0x28: {  	v4 =	vmov s31  }
0x29: {  	v6 =	vshll.u32 v4, $0x8  }
0x2a: {  	v4 =	vshll.u32 v4, $0x7;
	v6 =	vand.u32 $0x3800, v6  }
0x2b: {  	v7 =	vand.u32 $0x380, v4;
	v6 =	vor.u32 v6, v3  }
0x2c: {  	v6 =	vor.u32 v7, v6;
	v5 =	vld.idx.msk [tilespmem:v5+s5+$0x0], $0xffff  }
0x2d: {  	s25 =	simm.s32 $0x2;
	v4 =	vimm.f32 $0.0e+00  }
.LBB2_4:
0x2e: {  	v7 =	vmov s25;
	p1 =	sne.s32 s25, $0x3F;
	s25 =	sadd.s32 $0x1, s25  }
.Ltmp3:
0x2f: {  	v8 =	vshll.u32 v7, $0x8;
	(pc) =	sbr.rel @p1 .LBB2_4-.Ltmp3, $4  }
0x30: {  	v7 =	vshll.u32 v7, $0x7;
	v8 =	vand.u32 $0x3800, v8  }
0x31: {  	v7 =	vand.u32 $0x380, v7;
	v9 =	vmul.f32 v5, v5;
	v8 =	vor.u32 v8, v3;
	v5 =	vld.idx.msk [tilespmem:v6+s5+$0x0], $0xffff  }
0x32: {  	v6 =	vor.u32 v7, v8  }
0x33: {  	v4 =	vadd.f32 v9, v4  }
0x34: {  	_ =	sdelay $0x3  }
0x35: {  	v3 =	vld.idx.msk [tilespmem:v6+s5+$0x0], $0xffff;
	_ =	sdelay $0x2  }
0x36: {  	v5 =	vmul.f32 v5, v5;
	_ =	sdelay $0x1  }
0x37: {  	s24 =	sadd.s32 $0x1, s24;
	v4 =	vadd.f32 v5, v4;
	v3 =	vmul.f32 v3, v3  }
0x38: {  	p1 =	sne.s32 s24, $0x10  }
.Ltmp4:
0x39: {  	v3 =	vadd.f32 v3, v4;
	(pc) =	sbr.rel @p1 .LBB2_3-.Ltmp4, $3  }
0x3a: {  	_ = 	snop  }
0x3b: {  	v3 =	vmul.f32 v3, v0;
	_ =	sdelay $0x1  }
0x3c: {  	[tilespmem:v2+s16+$0x0] =	vst.idx.msk $0xffff, v3  }
0x3d: {  	[spmem:s8] =	stream.linear.scatter [tilespmem:s16], [sflag:$0x3], $0x100, $0x38;
	[tilespmem:$0x14860] =	vst v63  }
0x3e: {  	_ =	swait.ge [sflag:s15], $0x100  }
0x3f: {  	[sflag:s15] =	ssyncset.done $0x0  }
0x40: {  	[sflag:s15] =	ssyncadd.s32 $0xFFFFFF00  }
.LBB2_7:
0x41: {  	s23 =	simm.s32 $0x0  }
0x42: {  	[bflag:$0x0] =	sbarrier.arrive $0xFFFF;
	s26 =	simm.s32 $0x100;
	v2 =	vor.u32 s23, v1  }
0x43: {  	[tilespmem:s17], [sflag:$0x3] =	stream.linear.gather [spmem:s3], $0x600, $0x38;
	[tilespmem:$0x14860] =	vst v63  }
0x44: {  	v3 =	vor.u32 s26, v1;
	_ =	swait.ge [sflag:s15], $0x600  }
0x45: {  	[sflag:s15] =	ssyncset.done $0x0  }
0x46: {  	[sflag:s15] =	ssyncadd.s32 $0xFFFFFA00  }
0x47: {  	s28 =	simm.s32 $0x200;
	v5 =	vld.idx.msk [tilespmem:v2+s17+$0x0], $0xffff  }
0x48: {  	v4 =	vor.u32 s28, v1  }
0x49: {  	s29 =	simm.s32 $0x300;
	v3 =	vld.idx.msk [tilespmem:v3+s17+$0x0], $0xffff  }
0x4a: {  	v6 =	vor.u32 s29, v1  }
0x4b: {  	s30 =	simm.s32 $0x400  }
0x4c: {  	v7 =	vor.u32 s30, v1;
	v5 =	vadd.f32 $0.0e+00, v5  }
0x4d: {  	s31 =	simm.s32 $0x500;
	v4 =	vld.idx.msk [tilespmem:v4+s17+$0x0], $0xffff  }
0x4e: {  	v3 =	vadd.f32 v3, v5;
	v5 =	vor.u32 s31, v1  }
0x4f: {  	v6 =	vld.idx.msk [tilespmem:v6+s17+$0x0], $0xffff;
	_ =	sdelay $0x1  }
0x50: {  	v7 =	vld.idx.msk [tilespmem:v7+s17+$0x0], $0xffff  }
0x51: {  	v3 =	vadd.f32 v4, v3  }
0x52: {  	v4 =	vld.idx.msk [tilespmem:v5+s17+$0x0], $0xffff  }
0x53: {  	v6 =	vadd.f32 v6, v3  }
0x54: {  	s23 =	simm.s32 $0x10  }
0x55: {  	s24 =	simm.s32 $0x20;
	v3 =	vor.u32 s23, v1;
	v5 =	vadd.f32 v7, v6  }
.LBB2_8:
0x56: {  	p1 =	sne.s32 s24, $0xF0;
	s25 =	sadd.s32 $0x100, s23  }
0x57: {  	v6 =	vor.u32 s25, v1;
	v4 =	vadd.f32 v4, v5  }
0x58: {  	s25 =	sadd.s32 $0x200, s23  }
0x59: {  	v5 =	vor.u32 s25, v1;
	[tilespmem:v2+s18+$0x0] =	vst.idx.msk $0xffff, v4;
	v2 =	vmov v3  }
0x5a: {  	s25 =	sadd.s32 $0x300, s23;
	v3 =	vld.idx.msk [tilespmem:v3+s17+$0x0], $0xffff  }
0x5b: {  	v4 =	vor.u32 s25, v1  }
0x5c: {  	s25 =	sadd.s32 $0x400, s23;
	v6 =	vld.idx.msk [tilespmem:v6+s17+$0x0], $0xffff  }
0x5d: {  	v7 =	vor.u32 s25, v1  }
0x5e: {  	s25 =	sadd.s32 $0x500, s23;
	s23 =	smov.u32 s24;
	v5 =	vld.idx.msk [tilespmem:v5+s17+$0x0], $0xffff  }
0x5f: {  	v8 =	vor.u32 s25, v1  }
0x60: {  	v3 =	vadd.f32 $0.0e+00, v3;
	v9 =	vld.idx.msk [tilespmem:v4+s17+$0x0], $0xffff;
	_ =	sdelay $0x1  }
0x61: {  	v3 =	vadd.f32 v6, v3;
	v6 =	vld.idx.msk [tilespmem:v7+s17+$0x0], $0xffff;
	_ =	sdelay $0x1  }
.Ltmp5:
0x62: {  	v3 =	vadd.f32 v5, v3;
	v4 =	vld.idx.msk [tilespmem:v8+s17+$0x0], $0xffff;
	(pc) =	sbr.rel @p1 .LBB2_8-.Ltmp5, $3  }
0x63: {  	_ = 	snop  }
0x64: {  	v5 =	vadd.f32 v9, v3;
	_ =	sdelay $0x1  }
0x65: {  	s24 =	sadd.s32 $0x10, s24;
	v3 =	vor.u32 s23, v1;
	v5 =	vadd.f32 v6, v5  }
0x66: {  	_ = 	snop  }
0x67: {  	s24 =	sadd.s32 $0x100, s23  }
0x68: {  	v6 =	vor.u32 s24, v1;
	v4 =	vadd.f32 v4, v5  }
0x69: {  	s28 =	sadd.s32 $0x200, s23  }
0x6a: {  	v60 =	vor.u32 s28, v1;
	[tilespmem:v2+s18+$0x0] =	vst.idx.msk $0xffff, v4  }
0x6b: {  	s29 =	sadd.s32 $0x300, s23;
	v2 =	vld.idx.msk [tilespmem:v3+s17+$0x0], $0xffff  }
0x6c: {  	v61 =	vor.u32 s29, v1  }
0x6d: {  	s30 =	sadd.s32 $0x400, s23;
	v6 =	vld.idx.msk [tilespmem:v6+s17+$0x0], $0xffff  }
0x6e: {  	v7 =	vor.u32 s30, v1  }
0x6f: {  	s31 =	sadd.s32 $0x500, s23;
	v5 =	vld.idx.msk [tilespmem:v60+s17+$0x0], $0xffff  }
0x70: {  	v8 =	vor.u32 s31, v1;
	v2 =	vadd.f32 $0.0e+00, v2  }
0x71: {  	v4 =	vld.idx.msk [tilespmem:v61+s17+$0x0], $0xffff  }
0x72: {  	v2 =	vadd.f32 v6, v2  }
0x73: {  	v62 =	vld.idx.msk [tilespmem:v7+s17+$0x0], $0xffff  }
0x74: {  	v2 =	vadd.f32 v5, v2  }
0x75: {  	v63 =	vld.idx.msk [tilespmem:v8+s17+$0x0], $0xffff  }
0x76: {  	v2 =	vadd.f32 v4, v2;
	_ =	sdelay $0x1  }
0x77: {  	v2 =	vadd.f32 v62, v2  }
.Ltmp6:
0x78: {  	_ = 	snop;
	(pc) =	sbr.rel .LBB2_10-.Ltmp6, $3  }
0x79: {  	v2 =	vadd.f32 v63, v2;
	_ =	sdelay $0x1  }
0x7a: {  	s23 =	simm.s32 $0x0;
	[tilespmem:v3+s18+$0x0] =	vst.idx.msk $0xffff, v2  }
0x7b: {  	[tilespmem:s23], [sflag:$0x1] =	stream.linear.gather [hbm4b:s9+s23], $0x4000, $0x38;
	[tilespmem:$0x14860] =	vst v63  }
.LBB2_32:
0x7c: {  	s25 =	sshll.u32 s4, $0x6  }
0x7d: {  	s26 =	sshrl.u32 s13, $0x3;
	s25 =	sor.u32 $0x1C02, s25  }
0x7e: {  	[hbm:s24], [sflag:s25] =	dma.local [spmem:s26], $0x800  }
.LBB2_33:
0x7f: {  	s23 =	sadd.s32 $0x1, s23  }
0x80: {  	p1 =	sne.s32 s23, $0x66  }
.Ltmp7:
0x81: {  	_ = 	snop;
	(pc) =	sbr.rel @!p1 .LBB2_34-.Ltmp7, $1  }
0x82: {  	_ =	sdelay $0x3  }
.LBB2_10:
0x83: {  	s24 =	sand.u32 $0x1, s23  }
0x84: {  	p2 =	seq.s32 s24, $0x1  }
.Ltmp8:
0x85: {  	_ = 	snop;
	(pc) =	sbr.rel @!p2 .LBB2_11-.Ltmp8, $4  }
0x86: {  	_ = 	snop  }
0x87: {  	s25 =	sshll.u32 s23, $0x5  }
0x88: {  	s24 =	sor.u32 s6, s25  }
0x89: {  	p1 =	sgt.u32 s24, $0xCB9  }
.Ltmp9:
0x8a: {  	(pc) =	sbr.rel @p1 .LBB2_33-.Ltmp9, $1  }
0x8b: {  	_ =	sdelay $0x3  }
0x8c: {  	p1 =	slt.u32 s24, $0x65D;
	s26 =	simm.s32 $0x0  }
0x8d: {  	s26 =	simm.s32 @!p1 $0xFFFFF9A3  }
0x8e: {  	s26 =	sadd.s32 s24, s26  }
0x8f: {  	s28 =	sadd.s32 $0xFFFFFF1F, s26  }
0x90: {  	p6 =	sgt.s32 s26, $0x3E;
	p2 =	slt.u32 s28, $0xFFFFFFC1  }
0x91: {  	p1 =	por !p6, !p2  }
0x92: {  	p1 =	por !p1, !p1  }
0x93: {  	s30 =	sadd.s32 s10, s25;
	s26 =	simm.s32 @p1 $0x1  }
0x94: {  	s29 =	simm.s32 $0x0;
	p2 =	slt.u32 s30, $0x65D;
	_ =	swait.ge @p1 [sflag:s26], $0x800  }
0x95: {  	s29 =	simm.s32 @!p2 $0xFFFFF9A3;
	[sflag:s26] =	ssyncset.done @p1 $0x0  }
0x96: {  	s31 =	sadd.s32 s30, s29;
	s28 =	simm.s32 @!p1 $0x1;
	[sflag:s26] =	ssyncadd.s32 @p1 $0xFFFFF800  }
0x97: {  	p2 =	slt.s32 s31, $0x3F;
	s26 =	sadd.s32 $0xFFFFFF1F, s31;
	_ =	swait.ge @!p1 [sflag:s28], $0x4000  }
0x98: {  	p3 =	slt.u32 @!p2 s26, $0xFFFFFFC1;
	[sflag:s28] =	ssyncset.done @!p1 $0x0  }
0x99: {  	p2 =	por p2, !p3;
	[sflag:s28] =	ssyncadd.s32 @!p1 $0xFFFFC000  }
0x9a: {  	_ =	swait.ge @!p2 [sflag:s19], $0x800  }
0x9b: {  	[sflag:s19] =	ssyncset.done @!p2 $0x0  }
0x9c: {  	[sflag:s19] =	ssyncadd.s32 @!p2 $0xFFFFF800  }
0x9d: {  	_ =	swait.ge @p2 [sflag:s19], $0x4000  }
0x9e: {  	s25 =	sadd.s32 s12, s25;
	[sflag:s19] =	ssyncset.done @p2 $0x0  }
0x9f: {  	[sflag:s19] =	ssyncadd.s32 @p2 $0xFFFFC000;
	p2 =	sgt.u32 s25, $0xCB9  }
.Ltmp10:
0xa0: {  	_ = 	snop;
	(pc) =	sbr.rel @p2 .LBB2_26-.Ltmp10, $1  }
0xa1: {  	_ =	sdelay $0x3  }
0xa2: {  	p2 =	slt.u32 s25, $0x65D;
	s26 =	simm.s32 $0x0  }
0xa3: {  	s26 =	simm.s32 @!p2 $0x65D  }
0xa4: {  	s25 =	ssub.s32 s25, s26  }
0xa5: {  	s28 =	sadd.s32 $0xFFFFFF1F, s25  }
0xa6: {  	s29 =	sadd.s32 $0xFFFFFF5E, s25;
	p2 =	slt.u32 s28, $0xFFFFFFC1  }
0xa7: {  	p3 =	sgt.s32 s25, $0x3E;
	s30 =	sadd.s32 $0xA2, s25;
	s29 =	smov.u32 @p2 s25  }
0xa8: {  	p2 =	slt.s32 s25, $0x3F;
	s30 =	smov.u32 @p3 s29  }
0xa9: {  	p3 =	slt.u32 @!p2 s28, $0xFFFFFFC1;
	s31 =	sadd.s32 s26, s30  }
0xaa: {  	p2 =	por p2, !p3;
	s25 =	sshll.u32 s31, $0xB  }
0xab: {  	s26 =	sshll.u32 @!p2 s4, $0x6;
	s25 =	sand.u32 $0x1FFFF800, s25  }
0xac: {  	s28 =	sshrl.u32 @!p2 s11, $0x3;
	s26 =	sor.u32 @!p2 $0x1C01, s26;
	s25 =	sadd.s32 s1, s25  }
0xad: {  	[tilespmem:s5], [sflag:$0x1] =	stream.linear.gather @p2 [hbm4b:s25+s5], $0x4000, $0x38;
	[tilespmem:$0x14860] =	vst v63  }
0xae: {  	[spmem:s28], [sflag:s26] =	dma.local @!p2 [hbm:s25], $0x800  }
.LBB2_26:
.Ltmp11:
0xaf: {  	(pc) =	sbr.rel @p1 .LBB2_32-.Ltmp11, $3  }
0xb0: {  	_ =	sdelay $0x1  }
0xb1: {  	s25 =	sshll.u32 s24, $0xB  }
0xb2: {  	s24 =	sadd.s32 s2, s25  }
0xb3: {  	s26 =	sadd.s32 s1, s25;
	s25 =	simm.s32 $0x0  }
0xb4: {  	[tilespmem:s20], [sflag:$0x3] =	stream.linear.gather [hbm4b:s26+s25], $0x4000, $0x38;
	[tilespmem:$0x14860] =	vst v63  }
0xb5: {  	_ =	swait.ge [sflag:s15], $0x4000  }
0xb6: {  	[sflag:s15] =	ssyncset.done $0x0  }
0xb7: {  	s26 =	simm.s32 $0x0;
	[sflag:s15] =	ssyncadd.s32 $0xFFFFC000  }
.LBB2_28:
0xb8: {  	s28 =	sshll.u32 s26, $0x4  }
0xb9: {  	v2 =	vmov s28  }
0xba: {  	v3 =	vmov s25;
	v4 =	vor.u32 s28, v1;
	v2 =	vshll.u32 v2, $0x3  }
0xbb: {  	v6 =	vshll.u32 v3, $0x8;
	v5 =	vand.u32 $0x7F, v4;
	v2 =	vand.u32 $0x400, v2  }
0xbc: {  	v3 =	vshll.u32 v3, $0x7;
	v2 =	vor.u32 v2, v5;
	v5 =	vand.u32 $0x3800, v6  }
0xbd: {  	v3 =	vand.u32 $0x380, v3;
	v5 =	vor.u32 v5, v2  }
0xbe: {  	v3 =	vor.u32 v3, v5  }
0xbf: {  	v5 =	vld.idx.msk [tilespmem:v4+s18+$0x0], $0xffff;
	_ =	sdelay $0x2  }
0xc0: {  	s28 =	simm.s32 $0x1  }
0xc1: {  	v6 =	vmov s28;
	v4 =	vld.idx.msk [tilespmem:v3+s20+$0x0], $0xffff  }
0xc2: {  	s28 =	simm.s32 $0x2;
	v7 =	vshll.u32 v6, $0x8;
	vm0 =	vgt.f32 v5, $0.0e+00;
	v5 =	vld.idx.msk [tilespmem:v3+s21+$0x0], $0xffff  }
.LBB2_29:
0xc3: {  	p1 =	sne.s32 s28, $0x3F;
	v7 =	vand.u32 $0x3800, v7;
	v6 =	vshll.u32 v6, $0x7  }
0xc4: {  	v6 =	vand.u32 $0x380, v6;
	v7 =	vor.u32 v7, v2  }
0xc5: {  	v8 =	vor.u32 v6, v7;
	_ =	sdelay $0x1  }
.Ltmp12:
0xc6: {  	(pc) =	sbr.rel @p1 .LBB2_29-.Ltmp12, $4  }
0xc7: {  	v4 =	vsel vm0, v5, v4  }
0xc8: {  	[tilespmem:v3+s21+$0x0] =	vst.idx.msk $0xffff, v4;
	v3 =	vmov v8  }
0xc9: {  	v6 =	vmov s28;
	v4 =	vld.idx.msk [tilespmem:v8+s20+$0x0], $0xffff  }
0xca: {  	s28 =	sadd.s32 $0x1, s28;
	v7 =	vshll.u32 v6, $0x8;
	v5 =	vld.idx.msk [tilespmem:v8+s21+$0x0], $0xffff  }
0xcb: {  	v7 =	vand.u32 $0x3800, v7;
	v6 =	vshll.u32 v6, $0x7  }
0xcc: {  	v6 =	vand.u32 $0x380, v6;
	v2 =	vor.u32 v7, v2  }
0xcd: {  	v2 =	vor.u32 v6, v2;
	_ =	sdelay $0x2  }
0xce: {  	v4 =	vsel vm0, v5, v4  }
0xcf: {  	[tilespmem:v3+s21+$0x0] =	vst.idx.msk $0xffff, v4  }
0xd0: {  	v3 =	vld.idx.msk [tilespmem:v2+s20+$0x0], $0xffff  }
0xd1: {  	s26 =	sadd.s32 $0x1, s26;
	v4 =	vld.idx.msk [tilespmem:v2+s21+$0x0], $0xffff  }
0xd2: {  	p1 =	sne.s32 s26, $0x10  }
.Ltmp13:
0xd3: {  	_ = 	snop;
	(pc) =	sbr.rel @p1 .LBB2_28-.Ltmp13, $3  }
0xd4: {  	_ =	sdelay $0x1  }
0xd5: {  	v3 =	vsel vm0, v4, v3  }
0xd6: {  	[tilespmem:v2+s21+$0x0] =	vst.idx.msk $0xffff, v3  }
.Ltmp14:
0xd7: {  	(pc) =	sbr.rel .LBB2_33-.Ltmp14, $2  }
0xd8: {  	_ =	sdelay $0x2  }
0xd9: {  	[hbm4b:s24+s5] =	stream.linear.scatter [tilespmem:s21], [sflag:$0x2], $0x4000, $0x38;
	[tilespmem:$0x14860] =	vst v63  }
.LBB2_11:
.Ltmp15:
0xda: {  	(pc) =	sbr.rel @p1 .LBB2_33-.Ltmp15, $1  }
0xdb: {  	_ =	sdelay $0x3  }
0xdc: {  	p1 =	slt.u32 s24, $0x65D;
	s26 =	simm.s32 $0x0  }
0xdd: {  	s26 =	simm.s32 @!p1 $0xFFFFF9A3  }
0xde: {  	s26 =	sadd.s32 s24, s26  }
0xdf: {  	s28 =	sadd.s32 $0xFFFFFF1F, s26  }
0xe0: {  	p6 =	sgt.s32 s26, $0x3E;
	p2 =	slt.u32 s28, $0xFFFFFFC1  }
0xe1: {  	p1 =	por !p6, !p2  }
0xe2: {  	p1 =	por !p1, !p1  }
0xe3: {  	s26 =	simm.s32 @p1 $0x1  }
0xe4: {  	p2 =	seq.s32 s23, $0x0;
	_ =	swait.ge @p1 [sflag:s26], $0x800  }
.Ltmp16:
0xe5: {  	[sflag:s26] =	ssyncset.done @p1 $0x0;
	(pc) =	sbr.rel @p2 .LBB2_14-.Ltmp16, $4  }
0xe6: {  	[sflag:s26] =	ssyncadd.s32 @p1 $0xFFFFF800;
	s26 =	simm.s32 @!p1 $0x1  }
0xe7: {  	_ =	swait.ge @!p1 [sflag:s26], $0x4000  }
0xe8: {  	[sflag:s26] =	ssyncset.done @!p1 $0x0  }
0xe9: {  	[sflag:s26] =	ssyncadd.s32 @!p1 $0xFFFFC000  }
0xea: {  	s25 =	sadd.s32 s10, s25  }
0xeb: {  	s26 =	simm.s32 $0x0;
	p2 =	slt.s32 s25, $0x65D  }
0xec: {  	s26 =	simm.s32 @!p2 $0xFFFFF9A3  }
0xed: {  	s25 =	sadd.s32 s25, s26  }
0xee: {  	p2 =	slt.s32 s25, $0x3F;
	s25 =	sadd.s32 $0xFFFFFF1F, s25  }
0xef: {  	p3 =	slt.u32 @!p2 s25, $0xFFFFFFC1  }
0xf0: {  	p2 =	por p2, !p3  }
0xf1: {  	_ =	swait.ge @!p2 [sflag:s19], $0x800  }
0xf2: {  	[sflag:s19] =	ssyncset.done @!p2 $0x0  }
0xf3: {  	[sflag:s19] =	ssyncadd.s32 @!p2 $0xFFFFF800  }
0xf4: {  	_ =	swait.ge @p2 [sflag:s19], $0x4000  }
0xf5: {  	[sflag:s19] =	ssyncset.done @p2 $0x0  }
0xf6: {  	[sflag:s19] =	ssyncadd.s32 @p2 $0xFFFFC000  }
.LBB2_14:
0xf7: {  	s25 =	sor.u32 $0x20, s24  }
0xf8: {  	p2 =	sgt.u32 s25, $0xCB9  }
.Ltmp17:
0xf9: {  	_ = 	snop;
	(pc) =	sbr.rel @p2 .LBB2_16-.Ltmp17, $1  }
0xfa: {  	_ =	sdelay $0x3  }
0xfb: {  	p2 =	slt.u32 s25, $0x65D;
	s26 =	simm.s32 $0x0  }
0xfc: {  	s26 =	simm.s32 @!p2 $0x65D  }
0xfd: {  	s25 =	ssub.s32 s25, s26  }
0xfe: {  	s28 =	sadd.s32 $0xFFFFFF1F, s25  }
0xff: {  	s29 =	sadd.s32 $0xFFFFFF5E, s25;
	p2 =	slt.u32 s28, $0xFFFFFFC1  }
0x100: {  	p3 =	sgt.s32 s25, $0x3E;
	s30 =	sadd.s32 $0xA2, s25;
	s29 =	smov.u32 @p2 s25  }
0x101: {  	p2 =	slt.s32 s25, $0x3F;
	s30 =	smov.u32 @p3 s29  }
0x102: {  	p3 =	slt.u32 @!p2 s28, $0xFFFFFFC1;
	s31 =	sadd.s32 s26, s30  }
0x103: {  	p2 =	por p2, !p3;
	s25 =	sshll.u32 s31, $0xB  }
0x104: {  	s26 =	sshll.u32 @!p2 s4, $0x6;
	s25 =	sand.u32 $0x1FFFF800, s25  }
0x105: {  	s28 =	sshrl.u32 @!p2 s13, $0x3;
	s26 =	sor.u32 @!p2 $0x1C01, s26;
	s25 =	sadd.s32 s1, s25  }
0x106: {  	[tilespmem:s21], [sflag:$0x1] =	stream.linear.gather @p2 [hbm4b:s25+s5], $0x4000, $0x38;
	[tilespmem:$0x14860] =	vst v63  }
0x107: {  	[spmem:s28], [sflag:s26] =	dma.local @!p2 [hbm:s25], $0x800  }
.LBB2_16:
.Ltmp18:
0x108: {  	(pc) =	sbr.rel @!p1 .LBB2_17-.Ltmp18, $3  }
0x109: {  	_ =	sdelay $0x1  }
0x10a: {  	s25 =	sshll.u32 s24, $0xB  }
0x10b: {  	s24 =	sadd.s32 s2, s25  }
.Ltmp19:
0x10c: {  	(pc) =	sbr.rel .LBB2_33-.Ltmp19, $4  }
0x10d: {  	_ = 	snop  }
0x10e: {  	s25 =	sshll.u32 s4, $0x6  }
0x10f: {  	s26 =	sshrl.u32 s11, $0x3;
	s25 =	sor.u32 $0x1C02, s25  }
0x110: {  	[hbm:s24], [sflag:s25] =	dma.local [spmem:s26], $0x800  }
.LBB2_17:
0x111: {  	s26 =	sadd.s32 s1, s25;
	s25 =	simm.s32 $0x0  }
0x112: {  	[tilespmem:s20], [sflag:$0x3] =	stream.linear.gather [hbm4b:s26+s25], $0x4000, $0x38;
	[tilespmem:$0x14860] =	vst v63  }
0x113: {  	_ =	swait.ge [sflag:s15], $0x4000  }
0x114: {  	[sflag:s15] =	ssyncset.done $0x0  }
0x115: {  	s26 =	simm.s32 $0x0;
	[sflag:s15] =	ssyncadd.s32 $0xFFFFC000  }
.LBB2_18:
0x116: {  	s28 =	sshll.u32 s26, $0x4  }
0x117: {  	v2 =	vmov s28  }
0x118: {  	v3 =	vmov s25;
	v4 =	vor.u32 s28, v1;
	v2 =	vshll.u32 v2, $0x3  }
0x119: {  	v6 =	vshll.u32 v3, $0x8;
	v5 =	vand.u32 $0x7F, v4;
	v2 =	vand.u32 $0x400, v2  }
0x11a: {  	v3 =	vshll.u32 v3, $0x7;
	v2 =	vor.u32 v2, v5;
	v5 =	vand.u32 $0x3800, v6  }
0x11b: {  	v3 =	vand.u32 $0x380, v3;
	v5 =	vor.u32 v5, v2  }
0x11c: {  	v3 =	vor.u32 v3, v5  }
0x11d: {  	v5 =	vld.idx.msk [tilespmem:v4+s18+$0x0], $0xffff;
	_ =	sdelay $0x2  }
0x11e: {  	s28 =	simm.s32 $0x1  }
0x11f: {  	v6 =	vmov s28;
	v4 =	vld.idx.msk [tilespmem:v3+s20+$0x0], $0xffff  }
0x120: {  	s28 =	simm.s32 $0x2;
	v7 =	vshll.u32 v6, $0x8;
	vm0 =	vgt.f32 v5, $0.0e+00;
	v5 =	vld.idx.msk [tilespmem:v3+s5+$0x0], $0xffff  }
.LBB2_19:
0x121: {  	p1 =	sne.s32 s28, $0x3F;
	v7 =	vand.u32 $0x3800, v7;
	v6 =	vshll.u32 v6, $0x7  }
0x122: {  	v6 =	vand.u32 $0x380, v6;
	v7 =	vor.u32 v7, v2  }
0x123: {  	v8 =	vor.u32 v6, v7;
	_ =	sdelay $0x1  }
.Ltmp20:
0x124: {  	(pc) =	sbr.rel @p1 .LBB2_19-.Ltmp20, $4  }
0x125: {  	v4 =	vsel vm0, v5, v4  }
0x126: {  	[tilespmem:v3+s5+$0x0] =	vst.idx.msk $0xffff, v4;
	v3 =	vmov v8  }
0x127: {  	v6 =	vmov s28;
	v4 =	vld.idx.msk [tilespmem:v8+s20+$0x0], $0xffff  }
0x128: {  	s28 =	sadd.s32 $0x1, s28;
	v7 =	vshll.u32 v6, $0x8;
	v5 =	vld.idx.msk [tilespmem:v8+s5+$0x0], $0xffff  }
0x129: {  	v7 =	vand.u32 $0x3800, v7;
	v6 =	vshll.u32 v6, $0x7  }
0x12a: {  	v6 =	vand.u32 $0x380, v6;
	v2 =	vor.u32 v7, v2  }
0x12b: {  	v2 =	vor.u32 v6, v2;
	_ =	sdelay $0x2  }
0x12c: {  	v4 =	vsel vm0, v5, v4  }
0x12d: {  	[tilespmem:v3+s5+$0x0] =	vst.idx.msk $0xffff, v4  }
0x12e: {  	v3 =	vld.idx.msk [tilespmem:v2+s20+$0x0], $0xffff  }
0x12f: {  	s26 =	sadd.s32 $0x1, s26;
	v4 =	vld.idx.msk [tilespmem:v2+s5+$0x0], $0xffff  }
0x130: {  	p1 =	sne.s32 s26, $0x10  }
.Ltmp21:
0x131: {  	_ = 	snop;
	(pc) =	sbr.rel @p1 .LBB2_18-.Ltmp21, $3  }
0x132: {  	_ =	sdelay $0x1  }
0x133: {  	v3 =	vsel vm0, v4, v3  }
0x134: {  	[tilespmem:v2+s5+$0x0] =	vst.idx.msk $0xffff, v3  }
.Ltmp22:
0x135: {  	(pc) =	sbr.rel .LBB2_33-.Ltmp22, $2  }
0x136: {  	_ =	sdelay $0x2  }
0x137: {  	[hbm4b:s24+s5] =	stream.linear.scatter [tilespmem:s5], [sflag:$0x2], $0x4000, $0x38;
	[tilespmem:$0x14860] =	vst v63  }
.LBB2_35:
0x138: {  	_ =	sfence.sel $0x180000  }
0x139: {  	[bflag:$0x0] =	sbarrier.arrive $0xFFFF  }
0x13a: {  	p0 =	sne.s32 s4, $0x0;
	_ =	strace $0x90000047  }
0x13b: {  	s0 =	sadd.s32 @!p0 $0x100000, s0;
	[bflag:$0x2] =	sbarrier.arrive $0xFFFF  }
0x13c: {  	[sflag:s0] =	ssyncadd.tile.s32 @!p0 $0x1;
	_ =	shalt  }
.Lfunc_end2:
_tile_overlayer_lowered:
.L_overlay_start_2:
0x13d: {  	(tag) =	ssettag $0x2  }
0x13e: {  	s0 =	rddreg [dreg:$0x0];
	s2 =	stileid.u32  }
0x13f: {  	s1 =	rddreg [dreg:$0x1];
	p0 =	sne.s32 s2, $0x0  }
0x140: {  	s3 =	rddreg [dreg:$0x2];
	[bflag:$0x3] =	sbarrier.arrive $0xFFFF;
	s2 =	simm.s32 @!p0 $0x1C03  }
0x141: {  	[timem:s3], [sflag:s2] =	dma.local @!p0 [hbm:s0], s1  }
0x142: {  	s0 =	simm.s32 @!p0 $0x3  }
0x143: {  	_ =	swait.ge @!p0 [sflag:s0], s1  }
0x144: {  	s1 =	ssub.s32 @!p0 $0x0, s1;
	[sflag:s0] =	ssyncset.done @!p0 $0x0  }
0x145: {  	[sflag:s0] =	ssyncadd.s32 @!p0 s1  }
0x146: {  	[bflag:$0x3] =	sbarrier.arrive $0xFFFF  }
0x147: {  	_ =	shalt  }

</sc_bundles>
